<compile_context>
chip_gen: v7x
topology: tpu7x:2x2x1
jax: 0.10.2.dev20260603
libtpu: 0.0.44.dev20260713+nightly
codegen_flags: <defaults>
</compile_context>

<pallas_src>
import functools

import jax
import jax.numpy as jnp
from jax import lax
from jax.experimental import pallas as pl
from jax.experimental.pallas import tpu as pltpu
from jax.experimental.pallas import tpu_sc as plsc

DIM = 64
SCALE = 8.0

_NC = 2
_NS = 16
_NW = _NC * _NS

_C = 128
_NBUF = 4


@jax.jit
def _tilegrid_call(lut_t):
    ndim, vocab = lut_t.shape
    vp = (vocab + _C - 1) // _C
    mesh = plsc.VectorSubcoreMesh(core_axis_name="c", subcore_axis_name="s")
    tpw = (vp + _NW - 1) // _NW
    nb = 8

    @functools.partial(
        pl.kernel,
        out_type=jax.ShapeDtypeStruct((vp, ndim, _C), jnp.float32),
        mesh=mesh,
        scratch_types=[
            pltpu.VMEM((nb, ndim, _C), jnp.float32),
            pltpu.SemaphoreType.DMA((nb,)),
            pltpu.SemaphoreType.DMA((nb,)),
        ],
        compiler_params=pltpu.CompilerParams(
            use_tc_tiling_on_sc=True, needs_layout_passes=False),
    )
    def grid(lut_hbm, t5_hbm, st_v, isem, osem):
        wid = lax.axis_index("s") * _NC + lax.axis_index("c")

        def cid(t):
            return wid + t * _NW

        def stripe_in(t, b):
            return pltpu.make_async_copy(
                lut_hbm.at[:, pl.ds(cid(t) * _C, _C)], st_v.at[b], isem.at[b])

        def stripe_out(t, b):
            return pltpu.make_async_copy(
                st_v.at[b], t5_hbm.at[cid(t)], osem.at[b])

        def live(t):
            return cid(t) < vp

        for k in range(nb - 1):
            @pl.when(live(k))
            def _():
                stripe_in(k, k).start()

        @pl.loop(0, tpw, step=nb)
        def outer(t0):
            for b in range(nb):
                t = t0 + b

                @pl.when(live(t + nb - 1))
                def _():
                    @pl.when(t + nb - 1 >= nb)
                    def _():
                        stripe_out(t - 1, (b + nb - 1) % nb).wait()
                    stripe_in(t + nb - 1, (b + nb - 1) % nb).start()

                @pl.when(live(t))
                def _():
                    stripe_in(t, b).wait()
                    stripe_out(t, b).start()

        for s in range(tpw - nb - 1, tpw):
            @pl.when(live(s) & jnp.logical_not(live(s + nb)))
            def _():
                stripe_out(s, s % nb).wait()

    return grid(lut_t)


@jax.jit
def _rowmajor_call(t5):
    NB = 6
    vp, ndim, _ = t5.shape
    mesh = plsc.VectorSubcoreMesh(core_axis_name="c", subcore_axis_name="s")
    tpw = (vp + _NW - 1) // _NW

    @functools.partial(
        pl.kernel,
        out_type=jax.ShapeDtypeStruct((vp * _C, ndim), jnp.float32),
        mesh=mesh,
        scratch_types=[
            pltpu.VMEM((NB, ndim, _C), jnp.float32),
            pltpu.VMEM((NB, _C, ndim + 1), jnp.float32),
            pltpu.SemaphoreType.DMA((NB,)),
            pltpu.SemaphoreType.DMA((NB,)),
        ],
        compiler_params=pltpu.CompilerParams(
            use_tc_tiling_on_sc=False, needs_layout_passes=False),
    )
    def rowm(t5_hbm, rm_hbm, in_v, tr_v, isem, osem):
        wid = lax.axis_index("s") * _NC + lax.axis_index("c")
        iota = lax.iota(jnp.int32, 16)

        def cid(t):
            return wid + t * _NW

        def stripe_in(t, b):
            return pltpu.make_async_copy(
                t5_hbm.at[cid(t)], in_v.at[b], isem.at[b])

        def stripe_out(t, b):
            return pltpu.make_async_copy(
                tr_v.at[b, :, pl.ds(0, ndim)],
                rm_hbm.at[pl.ds(cid(t) * _C, _C)], osem.at[b])

        def live(t):
            return cid(t) < vp

        for k in range(NB - 1):
            @pl.when(live(k))
            def _():
                stripe_in(k, k).start()

        @pl.loop(0, tpw, step=NB)
        def outer(t0):
            for b in range(NB):
                t = t0 + b

                @pl.when(live(t + NB - 1))
                def _():
                    stripe_in(t + NB - 1, (b + NB - 1) % NB).start()

                @pl.when(live(t))
                def _():
                    stripe_in(t, b).wait()

                    @pl.when(t >= NB)
                    def _():
                        stripe_out(t - NB, b).wait()

                    @plsc.parallel_loop(0, ndim, unroll=8)
                    def dloop(d):
                        col = jnp.full((16,), d, jnp.int32)
                        for k in range(_C // 16):
                            v = in_v[b, d, pl.ds(k * 16, 16)]
                            plsc.store_scatter(
                                tr_v.at[b], [iota + (k * 16), col], v * SCALE)

                    stripe_out(t, b).start()

        for s in range(tpw - NB - 1, tpw):
            @pl.when(live(s) & jnp.logical_not(live(s + NB)))
            def _():
                stripe_out(s, s % NB).wait()

    return rowm(t5)


@jax.jit
def _emb_call(xt3, lut):
    nj, ncb, _ = xt3.shape
    nunit = nj * ncb
    upw = nunit // _NW
    mesh = plsc.VectorSubcoreMesh(core_axis_name="c", subcore_axis_name="s")

    @functools.partial(
        pl.kernel,
        out_type=jax.ShapeDtypeStruct((nj, DIM // 8, ncb, 8, _C), jnp.float32),
        mesh=mesh,
        scratch_types=[
            pltpu.VMEM((_NBUF, _C), jnp.int32),
            pltpu.VMEM((_NBUF, _C, DIM), jnp.float32),
            pltpu.VMEM((_NBUF, DIM, _C + 1), jnp.float32),
            pltpu.SemaphoreType.DMA((_NBUF,)),
            pltpu.SemaphoreType.DMA((_NBUF,)),
            pltpu.SemaphoreType.DMA((_NBUF,)),
        ],
        compiler_params=pltpu.CompilerParams(
            use_tc_tiling_on_sc=False, needs_layout_passes=False),
    )
    def emb(x_hbm, lut_hbm, out_hbm, idx_v, rows_v, tr_v, isem, gsem, osem):
        wid = lax.axis_index("s") * _NC + lax.axis_index("c")
        ubase = wid * upw
        iota = lax.iota(jnp.int32, 16)

        def unit_jc(u):
            ug = ubase + u
            return ug // ncb, ug % ncb

        def idx_copy(u, b):
            j, c = unit_jc(u)
            return pltpu.make_async_copy(x_hbm.at[j, c], idx_v.at[b], isem.at[b])

        def gather(b):
            return pltpu.make_async_copy(
                lut_hbm.at[idx_v.at[b]], rows_v.at[b], gsem.at[b])

        def out_copy(u, b, r):
            j, c = unit_jc(u)
            return pltpu.make_async_copy(
                tr_v.at[b, pl.ds(r * 8, 8), pl.ds(0, _C)],
                out_hbm.at[j, r, c], osem.at[b])

        for k in range(_NBUF - 1):
            idx_copy(k, k).start()
        idx_copy(0, 0).wait()
        gather(0).start()

        @pl.loop(0, upw, step=_NBUF)
        def outer(u0):
            for b in range(_NBUF):
                u = u0 + b

                @pl.when(u + _NBUF - 1 < upw)
                def _():
                    idx_copy(u + _NBUF - 1, (b + _NBUF - 1) % _NBUF).start()

                @pl.when(u + 1 < upw)
                def _():
                    nb = (b + 1) % _NBUF
                    idx_copy(u + 1, nb).wait()
                    gather(nb).start()

                gather(b).wait()

                @pl.when(u >= _NBUF)
                def _():
                    for r in range(DIM // 8):
                        out_copy(u - _NBUF, b, r).wait()

                @plsc.parallel_loop(0, _C, unroll=8)
                def rloop(r):
                    col = jnp.full((16,), r, jnp.int32)
                    for k in range(DIM // 16):
                        v = rows_v[b, r, pl.ds(k * 16, 16)]
                        plsc.store_scatter(
                            tr_v.at[b], [iota + (k * 16), col], v)

                for r in range(DIM // 8):
                    out_copy(u, b, r).start()

        for b in range(_NBUF):
            for r in range(DIM // 8):
                out_copy(upw - _NBUF + b, b, r).wait()

    return emb(xt3, lut)


def kernel(X, lut):
    s0, s1 = X.shape
    tbl = _rowmajor_call(_tilegrid_call(jnp.transpose(lut)))
    xt3 = jnp.transpose(X).astype(jnp.int32).reshape(s1, s0 // _C, _C)
    out5 = _emb_call(xt3, tbl)
    out = out5.transpose(2, 4, 0, 1, 3).reshape(s0, s1, DIM)
    return out

# --- scband reference (transcript-rebuilt; emitter-appended) ---
"""Pipeline reference for scband-embeddings-90168543412293 (READ-ONLY COPY).

The authoritative reference and input builder live on the scoring server;
editing this copy changes nothing except your own understanding.
"""

import jax, jax.numpy as jnp
import numpy as np
import math

VOCAB = 1000000
DIM = 64

def setup_inputs(seed: int = 0) -> dict:
    key = jax.random.key(seed)
    k_idx, k_tab = jax.random.split(key)
    X = jax.random.randint(k_idx, (16384, 50), 0, VOCAB, dtype=jnp.int64 if jax.config.jax_enable_x64 else jnp.int32)
    lut = jax.random.normal(k_tab, (VOCAB, DIM), dtype=jnp.float32)
    return {"X": X, "lut": lut}

def reference(X, lut):
    # Embeddings.forward: lut(X) * sqrt(dim)
    emb = jnp.take(lut, X, axis=0)
    return emb * math.sqrt(DIM)

if __name__ == "__main__":
    import jax
    _d = setup_inputs()
    print(jax.jit(kernel)(*tuple(_d.values())))

</pallas_src>

<mosaic_0001>
#map = affine_map<(d0, d1) -> (0, 0)>
#map1 = affine_map<(d0, d1) -> (0, 0, 0)>
module attributes {stable_mosaic.version = 14 : i64} {
  func.func @grid(%arg0: i32, %arg1: i32, %arg2: memref<64x1000000xf32, #tpu.memory_space<hbm>>, %arg3: memref<7813x64x128xf32, #tpu.memory_space<hbm>>, %arg4: memref<8x64x128xf32, #tpu.memory_space<vmem>>, %arg5: memref<8x!tpu.dma_semaphore, #tpu.memory_space<semaphore_mem>>, %arg6: memref<8x!tpu.dma_semaphore, #tpu.memory_space<semaphore_mem>>) attributes {dimension_semantics = [#tpu.dimension_semantics<core_parallel>, #tpu.dimension_semantics<subcore_parallel>], iteration_bounds = array<i64: 2, 16>, scalar_prefetch = 0 : i64, scratch_operands = 3 : i64, tpu.core_type = #tpu.core_type<sc_vector_subcore>, window_params = [{transform_indices = #map}, {transform_indices = #map1}]} {
    %mul3A = arith.constant 2 : i32
    %mul3A_0 = arith.muli %arg1, %mul3A : i32
    %add3A = arith.addi %mul3A_0, %arg0 : i32
    %add3A_1 = arith.constant 0 : i32
    %add3A_2 = arith.addi %add3A, %add3A_1 : i32
    %lt3A = arith.constant 7813 : i32
    %lt3A_3 = arith.cmpi slt, %add3A_2, %lt3A : i32
    %convert_element_type3A = arith.extui %lt3A_3 : i1 to i32
    %cond3A = arith.constant 0 : i32
    %cond3A_4 = arith.cmpi ne, %convert_element_type3A, %cond3A : i32
    scf.if %cond3A_4 {
      %add3A_175 = arith.constant 0 : i32
      %add3A_176 = arith.addi %add3A, %add3A_175 : i32
      %mul3A_177 = arith.constant 128 : i32
      %mul3A_178 = arith.muli %add3A_176, %mul3A_177 : i32
      %dma_start3A = arith.constant 0 : i32
      %dma_start3A_179 = arith.constant 0 : i32
      %dma_start3A_180 = arith.constant 0 : i32
      %dma_start3A_181 = arith.constant 0 : i32
      %dma_start3A_182 = tpu.memref_slice %arg4[%dma_start3A, %dma_start3A_180, %dma_start3A_181] : memref<8x64x128xf32, #tpu.memory_space<vmem>> -> memref<1x64x128xf32, #tpu.memory_space<vmem>>
      %dma_start3A_183 = tpu.memref_squeeze %dma_start3A_182 : memref<1x64x128xf32, #tpu.memory_space<vmem>> -> memref<64x128xf32, #tpu.memory_space<vmem>>
      %dma_start3A_184 = arith.constant 0 : i32
      %dma_start3A_185 = tpu.memref_slice %arg2[%dma_start3A_184, %mul3A_178] : memref<64x1000000xf32, #tpu.memory_space<hbm>> -> memref<64x128xf32, #tpu.memory_space<hbm>>
      %dma_start3A_186 = tpu.memref_slice %arg5[%dma_start3A_179] : memref<8x!tpu.dma_semaphore, #tpu.memory_space<semaphore_mem>> -> memref<1x!tpu.dma_semaphore, #tpu.memory_space<semaphore_mem>>
      %dma_start3A_187 = tpu.memref_squeeze %dma_start3A_186 : memref<1x!tpu.dma_semaphore, #tpu.memory_space<semaphore_mem>> -> memref<!tpu.dma_semaphore, #tpu.memory_space<semaphore_mem>>
      %dma_start3A_188 = arith.constant 0 : i32
      %dma_start3A_189 = arith.constant 0 : i32
      %dma_start3A_190 = tpu.memref_slice %arg4[%dma_start3A, %dma_start3A_188, %dma_start3A_189] : memref<8x64x128xf32, #tpu.memory_space<vmem>> -> memref<1x64x128xf32, #tpu.memory_space<vmem>>
      %dma_start3A_191 = tpu.memref_squeeze %dma_start3A_190 : memref<1x64x128xf32, #tpu.memory_space<vmem>> -> memref<64x128xf32, #tpu.memory_space<vmem>>
      %dma_start3A_192 = arith.constant 0 : i32
      %dma_start3A_193 = tpu.memref_slice %arg2[%dma_start3A_192, %mul3A_178] : memref<64x1000000xf32, #tpu.memory_space<hbm>> -> memref<64x128xf32, #tpu.memory_space<hbm>>
      tpu.enqueue_dma source(%dma_start3A_193 : memref<64x128xf32, #tpu.memory_space<hbm>>) target(%dma_start3A_191 : memref<64x128xf32, #tpu.memory_space<vmem>>) target_semaphore(%dma_start3A_187 : memref<!tpu.dma_semaphore, #tpu.memory_space<semaphore_mem>>)
    } else {
    }
    %add3A_5 = arith.constant 32 : i32
    %add3A_6 = arith.addi %add3A, %add3A_5 : i32
    %lt3A_7 = arith.constant 7813 : i32
    %lt3A_8 = arith.cmpi slt, %add3A_6, %lt3A_7 : i32
    %convert_element_type3A_9 = arith.extui %lt3A_8 : i1 to i32
    %cond3A_10 = arith.constant 0 : i32
    %cond3A_11 = arith.cmpi ne, %convert_element_type3A_9, %cond3A_10 : i32
    scf.if %cond3A_11 {
      %add3A_175 = arith.constant 32 : i32
      %add3A_176 = arith.addi %add3A, %add3A_175 : i32
      %mul3A_177 = arith.constant 128 : i32
      %mul3A_178 = arith.muli %add3A_176, %mul3A_177 : i32
      %dma_start3A = arith.constant 1 : i32
      %dma_start3A_179 = arith.constant 1 : i32
      %dma_start3A_180 = arith.constant 0 : i32
      %dma_start3A_181 = arith.constant 0 : i32
      %dma_start3A_182 = tpu.memref_slice %arg4[%dma_start3A, %dma_start3A_180, %dma_start3A_181] : memref<8x64x128xf32, #tpu.memory_space<vmem>> -> memref<1x64x128xf32, #tpu.memory_space<vmem>>
      %dma_start3A_183 = tpu.memref_squeeze %dma_start3A_182 : memref<1x64x128xf32, #tpu.memory_space<vmem>> -> memref<64x128xf32, #tpu.memory_space<vmem>>
      %dma_start3A_184 = arith.constant 0 : i32
      %dma_start3A_185 = tpu.memref_slice %arg2[%dma_start3A_184, %mul3A_178] : memref<64x1000000xf32, #tpu.memory_space<hbm>> -> memref<64x128xf32, #tpu.memory_space<hbm>>
      %dma_start3A_186 = tpu.memref_slice %arg5[%dma_start3A_179] : memref<8x!tpu.dma_semaphore, #tpu.memory_space<semaphore_mem>> -> memref<1x!tpu.dma_semaphore, #tpu.memory_space<semaphore_mem>>
      %dma_start3A_187 = tpu.memref_squeeze %dma_start3A_186 : memref<1x!tpu.dma_semaphore, #tpu.memory_space<semaphore_mem>> -> memref<!tpu.dma_semaphore, #tpu.memory_space<semaphore_mem>>
      %dma_start3A_188 = arith.constant 0 : i32
      %dma_start3A_189 = arith.constant 0 : i32
      %dma_start3A_190 = tpu.memref_slice %arg4[%dma_start3A, %dma_start3A_188, %dma_start3A_189] : memref<8x64x128xf32, #tpu.memory_space<vmem>> -> memref<1x64x128xf32, #tpu.memory_space<vmem>>
      %dma_start3A_191 = tpu.memref_squeeze %dma_start3A_190 : memref<1x64x128xf32, #tpu.memory_space<vmem>> -> memref<64x128xf32, #tpu.memory_space<vmem>>
      %dma_start3A_192 = arith.constant 0 : i32
      %dma_start3A_193 = tpu.memref_slice %arg2[%dma_start3A_192, %mul3A_178] : memref<64x1000000xf32, #tpu.memory_space<hbm>> -> memref<64x128xf32, #tpu.memory_space<hbm>>
      tpu.enqueue_dma source(%dma_start3A_193 : memref<64x128xf32, #tpu.memory_space<hbm>>) target(%dma_start3A_191 : memref<64x128xf32, #tpu.memory_space<vmem>>) target_semaphore(%dma_start3A_187 : memref<!tpu.dma_semaphore, #tpu.memory_space<semaphore_mem>>)
    } else {
    }
    %add3A_12 = arith.constant 64 : i32
    %add3A_13 = arith.addi %add3A, %add3A_12 : i32
    %lt3A_14 = arith.constant 7813 : i32
    %lt3A_15 = arith.cmpi slt, %add3A_13, %lt3A_14 : i32
    %convert_element_type3A_16 = arith.extui %lt3A_15 : i1 to i32
    %cond3A_17 = arith.constant 0 : i32
    %cond3A_18 = arith.cmpi ne, %convert_element_type3A_16, %cond3A_17 : i32
    scf.if %cond3A_18 {
      %add3A_175 = arith.constant 64 : i32
      %add3A_176 = arith.addi %add3A, %add3A_175 : i32
      %mul3A_177 = arith.constant 128 : i32
      %mul3A_178 = arith.muli %add3A_176, %mul3A_177 : i32
      %dma_start3A = arith.constant 2 : i32
      %dma_start3A_179 = arith.constant 2 : i32
      %dma_start3A_180 = arith.constant 0 : i32
      %dma_start3A_181 = arith.constant 0 : i32
      %dma_start3A_182 = tpu.memref_slice %arg4[%dma_start3A, %dma_start3A_180, %dma_start3A_181] : memref<8x64x128xf32, #tpu.memory_space<vmem>> -> memref<1x64x128xf32, #tpu.memory_space<vmem>>
      %dma_start3A_183 = tpu.memref_squeeze %dma_start3A_182 : memref<1x64x128xf32, #tpu.memory_space<vmem>> -> memref<64x128xf32, #tpu.memory_space<vmem>>
      %dma_start3A_184 = arith.constant 0 : i32
      %dma_start3A_185 = tpu.memref_slice %arg2[%dma_start3A_184, %mul3A_178] : memref<64x1000000xf32, #tpu.memory_space<hbm>> -> memref<64x128xf32, #tpu.memory_space<hbm>>
      %dma_start3A_186 = tpu.memref_slice %arg5[%dma_start3A_179] : memref<8x!tpu.dma_semaphore, #tpu.memory_space<semaphore_mem>> -> memref<1x!tpu.dma_semaphore, #tpu.memory_space<semaphore_mem>>
      %dma_start3A_187 = tpu.memref_squeeze %dma_start3A_186 : memref<1x!tpu.dma_semaphore, #tpu.memory_space<semaphore_mem>> -> memref<!tpu.dma_semaphore, #tpu.memory_space<semaphore_mem>>
      %dma_start3A_188 = arith.constant 0 : i32
      %dma_start3A_189 = arith.constant 0 : i32
      %dma_start3A_190 = tpu.memref_slice %arg4[%dma_start3A, %dma_start3A_188, %dma_start3A_189] : memref<8x64x128xf32, #tpu.memory_space<vmem>> -> memref<1x64x128xf32, #tpu.memory_space<vmem>>
      %dma_start3A_191 = tpu.memref_squeeze %dma_start3A_190 : memref<1x64x128xf32, #tpu.memory_space<vmem>> -> memref<64x128xf32, #tpu.memory_space<vmem>>
      %dma_start3A_192 = arith.constant 0 : i32
      %dma_start3A_193 = tpu.memref_slice %arg2[%dma_start3A_192, %mul3A_178] : memref<64x1000000xf32, #tpu.memory_space<hbm>> -> memref<64x128xf32, #tpu.memory_space<hbm>>
      tpu.enqueue_dma source(%dma_start3A_193 : memref<64x128xf32, #tpu.memory_space<hbm>>) target(%dma_start3A_191 : memref<64x128xf32, #tpu.memory_space<vmem>>) target_semaphore(%dma_start3A_187 : memref<!tpu.dma_semaphore, #tpu.memory_space<semaphore_mem>>)
    } else {
    }
    %add3A_19 = arith.constant 96 : i32
    %add3A_20 = arith.addi %add3A, %add3A_19 : i32
    %lt3A_21 = arith.constant 7813 : i32
    %lt3A_22 = arith.cmpi slt, %add3A_20, %lt3A_21 : i32
    %convert_element_type3A_23 = arith.extui %lt3A_22 : i1 to i32
    %cond3A_24 = arith.constant 0 : i32
    %cond3A_25 = arith.cmpi ne, %convert_element_type3A_23, %cond3A_24 : i32
    scf.if %cond3A_25 {
      %add3A_175 = arith.constant 96 : i32
      %add3A_176 = arith.addi %add3A, %add3A_175 : i32
      %mul3A_177 = arith.constant 128 : i32
      %mul3A_178 = arith.muli %add3A_176, %mul3A_177 : i32
      %dma_start3A = arith.constant 3 : i32
      %dma_start3A_179 = arith.constant 3 : i32
      %dma_start3A_180 = arith.constant 0 : i32
      %dma_start3A_181 = arith.constant 0 : i32
      %dma_start3A_182 = tpu.memref_slice %arg4[%dma_start3A, %dma_start3A_180, %dma_start3A_181] : memref<8x64x128xf32, #tpu.memory_space<vmem>> -> memref<1x64x128xf32, #tpu.memory_space<vmem>>
      %dma_start3A_183 = tpu.memref_squeeze %dma_start3A_182 : memref<1x64x128xf32, #tpu.memory_space<vmem>> -> memref<64x128xf32, #tpu.memory_space<vmem>>
      %dma_start3A_184 = arith.constant 0 : i32
      %dma_start3A_185 = tpu.memref_slice %arg2[%dma_start3A_184, %mul3A_178] : memref<64x1000000xf32, #tpu.memory_space<hbm>> -> memref<64x128xf32, #tpu.memory_space<hbm>>
      %dma_start3A_186 = tpu.memref_slice %arg5[%dma_start3A_179] : memref<8x!tpu.dma_semaphore, #tpu.memory_space<semaphore_mem>> -> memref<1x!tpu.dma_semaphore, #tpu.memory_space<semaphore_mem>>
      %dma_start3A_187 = tpu.memref_squeeze %dma_start3A_186 : memref<1x!tpu.dma_semaphore, #tpu.memory_space<semaphore_mem>> -> memref<!tpu.dma_semaphore, #tpu.memory_space<semaphore_mem>>
      %dma_start3A_188 = arith.constant 0 : i32
      %dma_start3A_189 = arith.constant 0 : i32
      %dma_start3A_190 = tpu.memref_slice %arg4[%dma_start3A, %dma_start3A_188, %dma_start3A_189] : memref<8x64x128xf32, #tpu.memory_space<vmem>> -> memref<1x64x128xf32, #tpu.memory_space<vmem>>
      %dma_start3A_191 = tpu.memref_squeeze %dma_start3A_190 : memref<1x64x128xf32, #tpu.memory_space<vmem>> -> memref<64x128xf32, #tpu.memory_space<vmem>>
      %dma_start3A_192 = arith.constant 0 : i32
      %dma_start3A_193 = tpu.memref_slice %arg2[%dma_start3A_192, %mul3A_178] : memref<64x1000000xf32, #tpu.memory_space<hbm>> -> memref<64x128xf32, #tpu.memory_space<hbm>>
      tpu.enqueue_dma source(%dma_start3A_193 : memref<64x128xf32, #tpu.memory_space<hbm>>) target(%dma_start3A_191 : memref<64x128xf32, #tpu.memory_space<vmem>>) target_semaphore(%dma_start3A_187 : memref<!tpu.dma_semaphore, #tpu.memory_space<semaphore_mem>>)
    } else {
    }
    %add3A_26 = arith.constant 128 : i32
    %add3A_27 = arith.addi %add3A, %add3A_26 : i32
    %lt3A_28 = arith.constant 7813 : i32
    %lt3A_29 = arith.cmpi slt, %add3A_27, %lt3A_28 : i32
    %convert_element_type3A_30 = arith.extui %lt3A_29 : i1 to i32
    %cond3A_31 = arith.constant 0 : i32
    %cond3A_32 = arith.cmpi ne, %convert_element_type3A_30, %cond3A_31 : i32
    scf.if %cond3A_32 {
      %add3A_175 = arith.constant 128 : i32
      %add3A_176 = arith.addi %add3A, %add3A_175 : i32
      %mul3A_177 = arith.constant 128 : i32
      %mul3A_178 = arith.muli %add3A_176, %mul3A_177 : i32
      %dma_start3A = arith.constant 4 : i32
      %dma_start3A_179 = arith.constant 4 : i32
      %dma_start3A_180 = arith.constant 0 : i32
      %dma_start3A_181 = arith.constant 0 : i32
      %dma_start3A_182 = tpu.memref_slice %arg4[%dma_start3A, %dma_start3A_180, %dma_start3A_181] : memref<8x64x128xf32, #tpu.memory_space<vmem>> -> memref<1x64x128xf32, #tpu.memory_space<vmem>>
      %dma_start3A_183 = tpu.memref_squeeze %dma_start3A_182 : memref<1x64x128xf32, #tpu.memory_space<vmem>> -> memref<64x128xf32, #tpu.memory_space<vmem>>
      %dma_start3A_184 = arith.constant 0 : i32
      %dma_start3A_185 = tpu.memref_slice %arg2[%dma_start3A_184, %mul3A_178] : memref<64x1000000xf32, #tpu.memory_space<hbm>> -> memref<64x128xf32, #tpu.memory_space<hbm>>
      %dma_start3A_186 = tpu.memref_slice %arg5[%dma_start3A_179] : memref<8x!tpu.dma_semaphore, #tpu.memory_space<semaphore_mem>> -> memref<1x!tpu.dma_semaphore, #tpu.memory_space<semaphore_mem>>
      %dma_start3A_187 = tpu.memref_squeeze %dma_start3A_186 : memref<1x!tpu.dma_semaphore, #tpu.memory_space<semaphore_mem>> -> memref<!tpu.dma_semaphore, #tpu.memory_space<semaphore_mem>>
      %dma_start3A_188 = arith.constant 0 : i32
      %dma_start3A_189 = arith.constant 0 : i32
      %dma_start3A_190 = tpu.memref_slice %arg4[%dma_start3A, %dma_start3A_188, %dma_start3A_189] : memref<8x64x128xf32, #tpu.memory_space<vmem>> -> memref<1x64x128xf32, #tpu.memory_space<vmem>>
      %dma_start3A_191 = tpu.memref_squeeze %dma_start3A_190 : memref<1x64x128xf32, #tpu.memory_space<vmem>> -> memref<64x128xf32, #tpu.memory_space<vmem>>
      %dma_start3A_192 = arith.constant 0 : i32
      %dma_start3A_193 = tpu.memref_slice %arg2[%dma_start3A_192, %mul3A_178] : memref<64x1000000xf32, #tpu.memory_space<hbm>> -> memref<64x128xf32, #tpu.memory_space<hbm>>
      tpu.enqueue_dma source(%dma_start3A_193 : memref<64x128xf32, #tpu.memory_space<hbm>>) target(%dma_start3A_191 : memref<64x128xf32, #tpu.memory_space<vmem>>) target_semaphore(%dma_start3A_187 : memref<!tpu.dma_semaphore, #tpu.memory_space<semaphore_mem>>)
    } else {
    }
    %add3A_33 = arith.constant 160 : i32
    %add3A_34 = arith.addi %add3A, %add3A_33 : i32
    %lt3A_35 = arith.constant 7813 : i32
    %lt3A_36 = arith.cmpi slt, %add3A_34, %lt3A_35 : i32
    %convert_element_type3A_37 = arith.extui %lt3A_36 : i1 to i32
    %cond3A_38 = arith.constant 0 : i32
    %cond3A_39 = arith.cmpi ne, %convert_element_type3A_37, %cond3A_38 : i32
    scf.if %cond3A_39 {
      %add3A_175 = arith.constant 160 : i32
      %add3A_176 = arith.addi %add3A, %add3A_175 : i32
      %mul3A_177 = arith.constant 128 : i32
      %mul3A_178 = arith.muli %add3A_176, %mul3A_177 : i32
      %dma_start3A = arith.constant 5 : i32
      %dma_start3A_179 = arith.constant 5 : i32
      %dma_start3A_180 = arith.constant 0 : i32
      %dma_start3A_181 = arith.constant 0 : i32
      %dma_start3A_182 = tpu.memref_slice %arg4[%dma_start3A, %dma_start3A_180, %dma_start3A_181] : memref<8x64x128xf32, #tpu.memory_space<vmem>> -> memref<1x64x128xf32, #tpu.memory_space<vmem>>
      %dma_start3A_183 = tpu.memref_squeeze %dma_start3A_182 : memref<1x64x128xf32, #tpu.memory_space<vmem>> -> memref<64x128xf32, #tpu.memory_space<vmem>>
      %dma_start3A_184 = arith.constant 0 : i32
      %dma_start3A_185 = tpu.memref_slice %arg2[%dma_start3A_184, %mul3A_178] : memref<64x1000000xf32, #tpu.memory_space<hbm>> -> memref<64x128xf32, #tpu.memory_space<hbm>>
      %dma_start3A_186 = tpu.memref_slice %arg5[%dma_start3A_179] : memref<8x!tpu.dma_semaphore, #tpu.memory_space<semaphore_mem>> -> memref<1x!tpu.dma_semaphore, #tpu.memory_space<semaphore_mem>>
      %dma_start3A_187 = tpu.memref_squeeze %dma_start3A_186 : memref<1x!tpu.dma_semaphore, #tpu.memory_space<semaphore_mem>> -> memref<!tpu.dma_semaphore, #tpu.memory_space<semaphore_mem>>
      %dma_start3A_188 = arith.constant 0 : i32
      %dma_start3A_189 = arith.constant 0 : i32
      %dma_start3A_190 = tpu.memref_slice %arg4[%dma_start3A, %dma_start3A_188, %dma_start3A_189] : memref<8x64x128xf32, #tpu.memory_space<vmem>> -> memref<1x64x128xf32, #tpu.memory_space<vmem>>
      %dma_start3A_191 = tpu.memref_squeeze %dma_start3A_190 : memref<1x64x128xf32, #tpu.memory_space<vmem>> -> memref<64x128xf32, #tpu.memory_space<vmem>>
      %dma_start3A_192 = arith.constant 0 : i32
      %dma_start3A_193 = tpu.memref_slice %arg2[%dma_start3A_192, %mul3A_178] : memref<64x1000000xf32, #tpu.memory_space<hbm>> -> memref<64x128xf32, #tpu.memory_space<hbm>>
      tpu.enqueue_dma source(%dma_start3A_193 : memref<64x128xf32, #tpu.memory_space<hbm>>) target(%dma_start3A_191 : memref<64x128xf32, #tpu.memory_space<vmem>>) target_semaphore(%dma_start3A_187 : memref<!tpu.dma_semaphore, #tpu.memory_space<semaphore_mem>>)
    } else {
    }
    %add3A_40 = arith.constant 192 : i32
    %add3A_41 = arith.addi %add3A, %add3A_40 : i32
    %lt3A_42 = arith.constant 7813 : i32
    %lt3A_43 = arith.cmpi slt, %add3A_41, %lt3A_42 : i32
    %convert_element_type3A_44 = arith.extui %lt3A_43 : i1 to i32
    %cond3A_45 = arith.constant 0 : i32
    %cond3A_46 = arith.cmpi ne, %convert_element_type3A_44, %cond3A_45 : i32
    scf.if %cond3A_46 {
      %add3A_175 = arith.constant 192 : i32
      %add3A_176 = arith.addi %add3A, %add3A_175 : i32
      %mul3A_177 = arith.constant 128 : i32
      %mul3A_178 = arith.muli %add3A_176, %mul3A_177 : i32
      %dma_start3A = arith.constant 6 : i32
      %dma_start3A_179 = arith.constant 6 : i32
      %dma_start3A_180 = arith.constant 0 : i32
      %dma_start3A_181 = arith.constant 0 : i32
      %dma_start3A_182 = tpu.memref_slice %arg4[%dma_start3A, %dma_start3A_180, %dma_start3A_181] : memref<8x64x128xf32, #tpu.memory_space<vmem>> -> memref<1x64x128xf32, #tpu.memory_space<vmem>>
      %dma_start3A_183 = tpu.memref_squeeze %dma_start3A_182 : memref<1x64x128xf32, #tpu.memory_space<vmem>> -> memref<64x128xf32, #tpu.memory_space<vmem>>
      %dma_start3A_184 = arith.constant 0 : i32
      %dma_start3A_185 = tpu.memref_slice %arg2[%dma_start3A_184, %mul3A_178] : memref<64x1000000xf32, #tpu.memory_space<hbm>> -> memref<64x128xf32, #tpu.memory_space<hbm>>
      %dma_start3A_186 = tpu.memref_slice %arg5[%dma_start3A_179] : memref<8x!tpu.dma_semaphore, #tpu.memory_space<semaphore_mem>> -> memref<1x!tpu.dma_semaphore, #tpu.memory_space<semaphore_mem>>
      %dma_start3A_187 = tpu.memref_squeeze %dma_start3A_186 : memref<1x!tpu.dma_semaphore, #tpu.memory_space<semaphore_mem>> -> memref<!tpu.dma_semaphore, #tpu.memory_space<semaphore_mem>>
      %dma_start3A_188 = arith.constant 0 : i32
      %dma_start3A_189 = arith.constant 0 : i32
      %dma_start3A_190 = tpu.memref_slice %arg4[%dma_start3A, %dma_start3A_188, %dma_start3A_189] : memref<8x64x128xf32, #tpu.memory_space<vmem>> -> memref<1x64x128xf32, #tpu.memory_space<vmem>>
      %dma_start3A_191 = tpu.memref_squeeze %dma_start3A_190 : memref<1x64x128xf32, #tpu.memory_space<vmem>> -> memref<64x128xf32, #tpu.memory_space<vmem>>
      %dma_start3A_192 = arith.constant 0 : i32
      %dma_start3A_193 = tpu.memref_slice %arg2[%dma_start3A_192, %mul3A_178] : memref<64x1000000xf32, #tpu.memory_space<hbm>> -> memref<64x128xf32, #tpu.memory_space<hbm>>
      tpu.enqueue_dma source(%dma_start3A_193 : memref<64x128xf32, #tpu.memory_space<hbm>>) target(%dma_start3A_191 : memref<64x128xf32, #tpu.memory_space<vmem>>) target_semaphore(%dma_start3A_187 : memref<!tpu.dma_semaphore, #tpu.memory_space<semaphore_mem>>)
    } else {
    }
    %scan3A = arith.constant 0 : i32
    %scan3A_47 = arith.constant 31 : i32
    %scan3A_48 = arith.addi %scan3A, %scan3A_47 : i32
    %scan3A_49 = arith.constant 1 : i32
    scf.for %scan3A_175 = %scan3A to %scan3A_48 step %scan3A_49  : i32 {
      %mul3A_176 = arith.constant 8 : i32
      %mul3A_177 = arith.muli %scan3A_175, %mul3A_176 : i32
      %add3A_178 = arith.constant 0 : i32
      %add3A_179 = arith.addi %add3A_178, %mul3A_177 : i32
      %add3A_180 = arith.constant 0 : i32
      %add3A_181 = arith.addi %add3A_179, %add3A_180 : i32
      %add3A_182 = arith.constant 8 : i32
      %add3A_183 = arith.addi %add3A_181, %add3A_182 : i32
      %sub3A = arith.constant 1 : i32
      %sub3A_184 = arith.subi %add3A_183, %sub3A : i32
      %mul3A_185 = arith.constant 32 : i32
      %mul3A_186 = arith.muli %sub3A_184, %mul3A_185 : i32
      %add3A_187 = arith.addi %add3A, %mul3A_186 : i32
      %lt3A_188 = arith.constant 7813 : i32
      %lt3A_189 = arith.cmpi slt, %add3A_187, %lt3A_188 : i32
      %convert_element_type3A_190 = arith.extui %lt3A_189 : i1 to i32
      %cond3A_191 = arith.constant 0 : i32
      %cond3A_192 = arith.cmpi ne, %convert_element_type3A_190, %cond3A_191 : i32
      scf.if %cond3A_192 {
        %add3A_355 = arith.constant 8 : i32
        %add3A_356 = arith.addi %add3A_181, %add3A_355 : i32
        %sub3A_357 = arith.constant 1 : i32
        %sub3A_358 = arith.subi %add3A_356, %sub3A_357 : i32
        %ge3A = arith.constant 8 : i32
        %ge3A_359 = arith.cmpi sge, %sub3A_358, %ge3A : i32
        %convert_element_type3A_360 = arith.extui %ge3A_359 : i1 to i32
        %cond3A_361 = arith.constant 0 : i32
        %cond3A_362 = arith.cmpi ne, %convert_element_type3A_360, %cond3A_361 : i32
        scf.if %cond3A_362 {
          %sub3A_387 = arith.constant 1 : i32
          %sub3A_388 = arith.subi %add3A_181, %sub3A_387 : i32
          %mul3A_389 = arith.constant 32 : i32
          %mul3A_390 = arith.muli %sub3A_388, %mul3A_389 : i32
          %add3A_391 = arith.addi %add3A, %mul3A_390 : i32
          %dma_wait3A = arith.constant 7 : i32
          %dma_wait3A_392 = arith.constant 7 : i32
          %dma_wait3A_393 = arith.constant 0 : i32
          %dma_wait3A_394 = arith.constant 0 : i32
          %dma_wait3A_395 = tpu.memref_slice %arg4[%dma_wait3A, %dma_wait3A_393, %dma_wait3A_394] : memref<8x64x128xf32, #tpu.memory_space<vmem>> -> memref<1x64x128xf32, #tpu.memory_space<vmem>>
          %dma_wait3A_396 = tpu.memref_squeeze %dma_wait3A_395 : memref<1x64x128xf32, #tpu.memory_space<vmem>> -> memref<64x128xf32, #tpu.memory_space<vmem>>
          %dma_wait3A_397 = arith.constant 0 : i32
          %dma_wait3A_398 = arith.constant 0 : i32
          %dma_wait3A_399 = tpu.memref_slice %arg3[%add3A_391, %dma_wait3A_397, %dma_wait3A_398] : memref<7813x64x128xf32, #tpu.memory_space<hbm>> -> memref<1x64x128xf32, #tpu.memory_space<hbm>>
          %dma_wait3A_400 = tpu.memref_squeeze %dma_wait3A_399 : memref<1x64x128xf32, #tpu.memory_space<hbm>> -> memref<64x128xf32, #tpu.memory_space<hbm>>
          %dma_wait3A_401 = tpu.memref_slice %arg6[%dma_wait3A_392] : memref<8x!tpu.dma_semaphore, #tpu.memory_space<semaphore_mem>> -> memref<1x!tpu.dma_semaphore, #tpu.memory_space<semaphore_mem>>
          %dma_wait3A_402 = tpu.memref_squeeze %dma_wait3A_401 : memref<1x!tpu.dma_semaphore, #tpu.memory_space<semaphore_mem>> -> memref<!tpu.dma_semaphore, #tpu.memory_space<semaphore_mem>>
          %dma_wait3A_403 = arith.constant 0 : i32
          %dma_wait3A_404 = arith.constant 0 : i32
          %dma_wait3A_405 = tpu.memref_slice %arg3[%add3A_391, %dma_wait3A_403, %dma_wait3A_404] : memref<7813x64x128xf32, #tpu.memory_space<hbm>> -> memref<1x64x128xf32, #tpu.memory_space<hbm>>
          %dma_wait3A_406 = tpu.memref_squeeze %dma_wait3A_405 : memref<1x64x128xf32, #tpu.memory_space<hbm>> -> memref<64x128xf32, #tpu.memory_space<hbm>>
          %dma_wait3A_407 = arith.constant 0 : i32
          %dma_wait3A_408 = arith.constant 0 : i32
          %dma_wait3A_409 = tpu.memref_slice %arg4[%dma_wait3A, %dma_wait3A_407, %dma_wait3A_408] : memref<8x64x128xf32, #tpu.memory_space<vmem>> -> memref<1x64x128xf32, #tpu.memory_space<vmem>>
          %dma_wait3A_410 = tpu.memref_squeeze %dma_wait3A_409 : memref<1x64x128xf32, #tpu.memory_space<vmem>> -> memref<64x128xf32, #tpu.memory_space<vmem>>
          tpu.wait_dma2 semaphore(%dma_wait3A_402 : memref<!tpu.dma_semaphore, #tpu.memory_space<semaphore_mem>>) src(%dma_wait3A_410 : memref<64x128xf32, #tpu.memory_space<vmem>>) dst(%dma_wait3A_406 : memref<64x128xf32, #tpu.memory_space<hbm>>)
        } else {
        }
        %add3A_363 = arith.constant 8 : i32
        %add3A_364 = arith.addi %add3A_181, %add3A_363 : i32
        %sub3A_365 = arith.constant 1 : i32
        %sub3A_366 = arith.subi %add3A_364, %sub3A_365 : i32
        %mul3A_367 = arith.constant 32 : i32
        %mul3A_368 = arith.muli %sub3A_366, %mul3A_367 : i32
        %add3A_369 = arith.addi %add3A, %mul3A_368 : i32
        %mul3A_370 = arith.constant 128 : i32
        %mul3A_371 = arith.muli %add3A_369, %mul3A_370 : i32
        %dma_start3A = arith.constant 7 : i32
        %dma_start3A_372 = arith.constant 7 : i32
        %dma_start3A_373 = arith.constant 0 : i32
        %dma_start3A_374 = arith.constant 0 : i32
        %dma_start3A_375 = tpu.memref_slice %arg4[%dma_start3A, %dma_start3A_373, %dma_start3A_374] : memref<8x64x128xf32, #tpu.memory_space<vmem>> -> memref<1x64x128xf32, #tpu.memory_space<vmem>>
        %dma_start3A_376 = tpu.memref_squeeze %dma_start3A_375 : memref<1x64x128xf32, #tpu.memory_space<vmem>> -> memref<64x128xf32, #tpu.memory_space<vmem>>
        %dma_start3A_377 = arith.constant 0 : i32
        %dma_start3A_378 = tpu.memref_slice %arg2[%dma_start3A_377, %mul3A_371] : memref<64x1000000xf32, #tpu.memory_space<hbm>> -> memref<64x128xf32, #tpu.memory_space<hbm>>
        %dma_start3A_379 = tpu.memref_slice %arg5[%dma_start3A_372] : memref<8x!tpu.dma_semaphore, #tpu.memory_space<semaphore_mem>> -> memref<1x!tpu.dma_semaphore, #tpu.memory_space<semaphore_mem>>
        %dma_start3A_380 = tpu.memref_squeeze %dma_start3A_379 : memref<1x!tpu.dma_semaphore, #tpu.memory_space<semaphore_mem>> -> memref<!tpu.dma_semaphore, #tpu.memory_space<semaphore_mem>>
        %dma_start3A_381 = arith.constant 0 : i32
        %dma_start3A_382 = arith.constant 0 : i32
        %dma_start3A_383 = tpu.memref_slice %arg4[%dma_start3A, %dma_start3A_381, %dma_start3A_382] : memref<8x64x128xf32, #tpu.memory_space<vmem>> -> memref<1x64x128xf32, #tpu.memory_space<vmem>>
        %dma_start3A_384 = tpu.memref_squeeze %dma_start3A_383 : memref<1x64x128xf32, #tpu.memory_space<vmem>> -> memref<64x128xf32, #tpu.memory_space<vmem>>
        %dma_start3A_385 = arith.constant 0 : i32
        %dma_start3A_386 = tpu.memref_slice %arg2[%dma_start3A_385, %mul3A_371] : memref<64x1000000xf32, #tpu.memory_space<hbm>> -> memref<64x128xf32, #tpu.memory_space<hbm>>
        tpu.enqueue_dma source(%dma_start3A_386 : memref<64x128xf32, #tpu.memory_space<hbm>>) target(%dma_start3A_384 : memref<64x128xf32, #tpu.memory_space<vmem>>) target_semaphore(%dma_start3A_380 : memref<!tpu.dma_semaphore, #tpu.memory_space<semaphore_mem>>)
      } else {
      }
      %mul3A_193 = arith.constant 32 : i32
      %mul3A_194 = arith.muli %add3A_181, %mul3A_193 : i32
      %add3A_195 = arith.addi %add3A, %mul3A_194 : i32
      %lt3A_196 = arith.constant 7813 : i32
      %lt3A_197 = arith.cmpi slt, %add3A_195, %lt3A_196 : i32
      %convert_element_type3A_198 = arith.extui %lt3A_197 : i1 to i32
      %cond3A_199 = arith.constant 0 : i32
      %cond3A_200 = arith.cmpi ne, %convert_element_type3A_198, %cond3A_199 : i32
      scf.if %cond3A_200 {
        %mul3A_355 = arith.constant 32 : i32
        %mul3A_356 = arith.muli %add3A_181, %mul3A_355 : i32
        %add3A_357 = arith.addi %add3A, %mul3A_356 : i32
        %mul3A_358 = arith.constant 128 : i32
        %mul3A_359 = arith.muli %add3A_357, %mul3A_358 : i32
        %dma_wait3A = arith.constant 0 : i32
        %dma_wait3A_360 = arith.constant 0 : i32
        %dma_wait3A_361 = arith.constant 0 : i32
        %dma_wait3A_362 = arith.constant 0 : i32
        %dma_wait3A_363 = tpu.memref_slice %arg4[%dma_wait3A, %dma_wait3A_361, %dma_wait3A_362] : memref<8x64x128xf32, #tpu.memory_space<vmem>> -> memref<1x64x128xf32, #tpu.memory_space<vmem>>
        %dma_wait3A_364 = tpu.memref_squeeze %dma_wait3A_363 : memref<1x64x128xf32, #tpu.memory_space<vmem>> -> memref<64x128xf32, #tpu.memory_space<vmem>>
        %dma_wait3A_365 = arith.constant 0 : i32
        %dma_wait3A_366 = tpu.memref_slice %arg2[%dma_wait3A_365, %mul3A_359] : memref<64x1000000xf32, #tpu.memory_space<hbm>> -> memref<64x128xf32, #tpu.memory_space<hbm>>
        %dma_wait3A_367 = tpu.memref_slice %arg5[%dma_wait3A_360] : memref<8x!tpu.dma_semaphore, #tpu.memory_space<semaphore_mem>> -> memref<1x!tpu.dma_semaphore, #tpu.memory_space<semaphore_mem>>
        %dma_wait3A_368 = tpu.memref_squeeze %dma_wait3A_367 : memref<1x!tpu.dma_semaphore, #tpu.memory_space<semaphore_mem>> -> memref<!tpu.dma_semaphore, #tpu.memory_space<semaphore_mem>>
        %dma_wait3A_369 = arith.constant 0 : i32
        %dma_wait3A_370 = arith.constant 0 : i32
        %dma_wait3A_371 = tpu.memref_slice %arg4[%dma_wait3A, %dma_wait3A_369, %dma_wait3A_370] : memref<8x64x128xf32, #tpu.memory_space<vmem>> -> memref<1x64x128xf32, #tpu.memory_space<vmem>>
        %dma_wait3A_372 = tpu.memref_squeeze %dma_wait3A_371 : memref<1x64x128xf32, #tpu.memory_space<vmem>> -> memref<64x128xf32, #tpu.memory_space<vmem>>
        %dma_wait3A_373 = arith.constant 0 : i32
        %dma_wait3A_374 = tpu.memref_slice %arg2[%dma_wait3A_373, %mul3A_359] : memref<64x1000000xf32, #tpu.memory_space<hbm>> -> memref<64x128xf32, #tpu.memory_space<hbm>>
        tpu.wait_dma2 semaphore(%dma_wait3A_368 : memref<!tpu.dma_semaphore, #tpu.memory_space<semaphore_mem>>) src(%dma_wait3A_374 : memref<64x128xf32, #tpu.memory_space<hbm>>) dst(%dma_wait3A_372 : memref<64x128xf32, #tpu.memory_space<vmem>>)
        %mul3A_375 = arith.constant 32 : i32
        %mul3A_376 = arith.muli %add3A_181, %mul3A_375 : i32
        %add3A_377 = arith.addi %add3A, %mul3A_376 : i32
        %dma_start3A = arith.constant 0 : i32
        %dma_start3A_378 = arith.constant 0 : i32
        %dma_start3A_379 = arith.constant 0 : i32
        %dma_start3A_380 = arith.constant 0 : i32
        %dma_start3A_381 = tpu.memref_slice %arg4[%dma_start3A, %dma_start3A_379, %dma_start3A_380] : memref<8x64x128xf32, #tpu.memory_space<vmem>> -> memref<1x64x128xf32, #tpu.memory_space<vmem>>
        %dma_start3A_382 = tpu.memref_squeeze %dma_start3A_381 : memref<1x64x128xf32, #tpu.memory_space<vmem>> -> memref<64x128xf32, #tpu.memory_space<vmem>>
        %dma_start3A_383 = arith.constant 0 : i32
        %dma_start3A_384 = arith.constant 0 : i32
        %dma_start3A_385 = tpu.memref_slice %arg3[%add3A_377, %dma_start3A_383, %dma_start3A_384] : memref<7813x64x128xf32, #tpu.memory_space<hbm>> -> memref<1x64x128xf32, #tpu.memory_space<hbm>>
        %dma_start3A_386 = tpu.memref_squeeze %dma_start3A_385 : memref<1x64x128xf32, #tpu.memory_space<hbm>> -> memref<64x128xf32, #tpu.memory_space<hbm>>
        %dma_start3A_387 = tpu.memref_slice %arg6[%dma_start3A_378] : memref<8x!tpu.dma_semaphore, #tpu.memory_space<semaphore_mem>> -> memref<1x!tpu.dma_semaphore, #tpu.memory_space<semaphore_mem>>
        %dma_start3A_388 = tpu.memref_squeeze %dma_start3A_387 : memref<1x!tpu.dma_semaphore, #tpu.memory_space<semaphore_mem>> -> memref<!tpu.dma_semaphore, #tpu.memory_space<semaphore_mem>>
        %dma_start3A_389 = arith.constant 0 : i32
        %dma_start3A_390 = arith.constant 0 : i32
        %dma_start3A_391 = tpu.memref_slice %arg3[%add3A_377, %dma_start3A_389, %dma_start3A_390] : memref<7813x64x128xf32, #tpu.memory_space<hbm>> -> memref<1x64x128xf32, #tpu.memory_space<hbm>>
        %dma_start3A_392 = tpu.memref_squeeze %dma_start3A_391 : memref<1x64x128xf32, #tpu.memory_space<hbm>> -> memref<64x128xf32, #tpu.memory_space<hbm>>
        %dma_start3A_393 = arith.constant 0 : i32
        %dma_start3A_394 = arith.constant 0 : i32
        %dma_start3A_395 = tpu.memref_slice %arg4[%dma_start3A, %dma_start3A_393, %dma_start3A_394] : memref<8x64x128xf32, #tpu.memory_space<vmem>> -> memref<1x64x128xf32, #tpu.memory_space<vmem>>
        %dma_start3A_396 = tpu.memref_squeeze %dma_start3A_395 : memref<1x64x128xf32, #tpu.memory_space<vmem>> -> memref<64x128xf32, #tpu.memory_space<vmem>>
        tpu.enqueue_dma source(%dma_start3A_396 : memref<64x128xf32, #tpu.memory_space<vmem>>) target(%dma_start3A_392 : memref<64x128xf32, #tpu.memory_space<hbm>>) target_semaphore(%dma_start3A_388 : memref<!tpu.dma_semaphore, #tpu.memory_space<semaphore_mem>>)
      } else {
      }
      %add3A_201 = arith.constant 1 : i32
      %add3A_202 = arith.addi %add3A_179, %add3A_201 : i32
      %add3A_203 = arith.constant 8 : i32
      %add3A_204 = arith.addi %add3A_202, %add3A_203 : i32
      %sub3A_205 = arith.constant 1 : i32
      %sub3A_206 = arith.subi %add3A_204, %sub3A_205 : i32
      %mul3A_207 = arith.constant 32 : i32
      %mul3A_208 = arith.muli %sub3A_206, %mul3A_207 : i32
      %add3A_209 = arith.addi %add3A, %mul3A_208 : i32
      %lt3A_210 = arith.constant 7813 : i32
      %lt3A_211 = arith.cmpi slt, %add3A_209, %lt3A_210 : i32
      %convert_element_type3A_212 = arith.extui %lt3A_211 : i1 to i32
      %cond3A_213 = arith.constant 0 : i32
      %cond3A_214 = arith.cmpi ne, %convert_element_type3A_212, %cond3A_213 : i32
      scf.if %cond3A_214 {
        %add3A_355 = arith.constant 8 : i32
        %add3A_356 = arith.addi %add3A_202, %add3A_355 : i32
        %sub3A_357 = arith.constant 1 : i32
        %sub3A_358 = arith.subi %add3A_356, %sub3A_357 : i32
        %ge3A = arith.constant 8 : i32
        %ge3A_359 = arith.cmpi sge, %sub3A_358, %ge3A : i32
        %convert_element_type3A_360 = arith.extui %ge3A_359 : i1 to i32
        %cond3A_361 = arith.constant 0 : i32
        %cond3A_362 = arith.cmpi ne, %convert_element_type3A_360, %cond3A_361 : i32
        scf.if %cond3A_362 {
          %sub3A_387 = arith.constant 1 : i32
          %sub3A_388 = arith.subi %add3A_202, %sub3A_387 : i32
          %mul3A_389 = arith.constant 32 : i32
          %mul3A_390 = arith.muli %sub3A_388, %mul3A_389 : i32
          %add3A_391 = arith.addi %add3A, %mul3A_390 : i32
          %dma_wait3A = arith.constant 0 : i32
          %dma_wait3A_392 = arith.constant 0 : i32
          %dma_wait3A_393 = arith.constant 0 : i32
          %dma_wait3A_394 = arith.constant 0 : i32
          %dma_wait3A_395 = tpu.memref_slice %arg4[%dma_wait3A, %dma_wait3A_393, %dma_wait3A_394] : memref<8x64x128xf32, #tpu.memory_space<vmem>> -> memref<1x64x128xf32, #tpu.memory_space<vmem>>
          %dma_wait3A_396 = tpu.memref_squeeze %dma_wait3A_395 : memref<1x64x128xf32, #tpu.memory_space<vmem>> -> memref<64x128xf32, #tpu.memory_space<vmem>>
          %dma_wait3A_397 = arith.constant 0 : i32
          %dma_wait3A_398 = arith.constant 0 : i32
          %dma_wait3A_399 = tpu.memref_slice %arg3[%add3A_391, %dma_wait3A_397, %dma_wait3A_398] : memref<7813x64x128xf32, #tpu.memory_space<hbm>> -> memref<1x64x128xf32, #tpu.memory_space<hbm>>
          %dma_wait3A_400 = tpu.memref_squeeze %dma_wait3A_399 : memref<1x64x128xf32, #tpu.memory_space<hbm>> -> memref<64x128xf32, #tpu.memory_space<hbm>>
          %dma_wait3A_401 = tpu.memref_slice %arg6[%dma_wait3A_392] : memref<8x!tpu.dma_semaphore, #tpu.memory_space<semaphore_mem>> -> memref<1x!tpu.dma_semaphore, #tpu.memory_space<semaphore_mem>>
          %dma_wait3A_402 = tpu.memref_squeeze %dma_wait3A_401 : memref<1x!tpu.dma_semaphore, #tpu.memory_space<semaphore_mem>> -> memref<!tpu.dma_semaphore, #tpu.memory_space<semaphore_mem>>
          %dma_wait3A_403 = arith.constant 0 : i32
          %dma_wait3A_404 = arith.constant 0 : i32
          %dma_wait3A_405 = tpu.memref_slice %arg3[%add3A_391, %dma_wait3A_403, %dma_wait3A_404] : memref<7813x64x128xf32, #tpu.memory_space<hbm>> -> memref<1x64x128xf32, #tpu.memory_space<hbm>>
          %dma_wait3A_406 = tpu.memref_squeeze %dma_wait3A_405 : memref<1x64x128xf32, #tpu.memory_space<hbm>> -> memref<64x128xf32, #tpu.memory_space<hbm>>
          %dma_wait3A_407 = arith.constant 0 : i32
          %dma_wait3A_408 = arith.constant 0 : i32
          %dma_wait3A_409 = tpu.memref_slice %arg4[%dma_wait3A, %dma_wait3A_407, %dma_wait3A_408] : memref<8x64x128xf32, #tpu.memory_space<vmem>> -> memref<1x64x128xf32, #tpu.memory_space<vmem>>
          %dma_wait3A_410 = tpu.memref_squeeze %dma_wait3A_409 : memref<1x64x128xf32, #tpu.memory_space<vmem>> -> memref<64x128xf32, #tpu.memory_space<vmem>>
          tpu.wait_dma2 semaphore(%dma_wait3A_402 : memref<!tpu.dma_semaphore, #tpu.memory_space<semaphore_mem>>) src(%dma_wait3A_410 : memref<64x128xf32, #tpu.memory_space<vmem>>) dst(%dma_wait3A_406 : memref<64x128xf32, #tpu.memory_space<hbm>>)
        } else {
        }
        %add3A_363 = arith.constant 8 : i32
        %add3A_364 = arith.addi %add3A_202, %add3A_363 : i32
        %sub3A_365 = arith.constant 1 : i32
        %sub3A_366 = arith.subi %add3A_364, %sub3A_365 : i32
        %mul3A_367 = arith.constant 32 : i32
        %mul3A_368 = arith.muli %sub3A_366, %mul3A_367 : i32
        %add3A_369 = arith.addi %add3A, %mul3A_368 : i32
        %mul3A_370 = arith.constant 128 : i32
        %mul3A_371 = arith.muli %add3A_369, %mul3A_370 : i32
        %dma_start3A = arith.constant 0 : i32
        %dma_start3A_372 = arith.constant 0 : i32
        %dma_start3A_373 = arith.constant 0 : i32
        %dma_start3A_374 = arith.constant 0 : i32
        %dma_start3A_375 = tpu.memref_slice %arg4[%dma_start3A, %dma_start3A_373, %dma_start3A_374] : memref<8x64x128xf32, #tpu.memory_space<vmem>> -> memref<1x64x128xf32, #tpu.memory_space<vmem>>
        %dma_start3A_376 = tpu.memref_squeeze %dma_start3A_375 : memref<1x64x128xf32, #tpu.memory_space<vmem>> -> memref<64x128xf32, #tpu.memory_space<vmem>>
        %dma_start3A_377 = arith.constant 0 : i32
        %dma_start3A_378 = tpu.memref_slice %arg2[%dma_start3A_377, %mul3A_371] : memref<64x1000000xf32, #tpu.memory_space<hbm>> -> memref<64x128xf32, #tpu.memory_space<hbm>>
        %dma_start3A_379 = tpu.memref_slice %arg5[%dma_start3A_372] : memref<8x!tpu.dma_semaphore, #tpu.memory_space<semaphore_mem>> -> memref<1x!tpu.dma_semaphore, #tpu.memory_space<semaphore_mem>>
        %dma_start3A_380 = tpu.memref_squeeze %dma_start3A_379 : memref<1x!tpu.dma_semaphore, #tpu.memory_space<semaphore_mem>> -> memref<!tpu.dma_semaphore, #tpu.memory_space<semaphore_mem>>
        %dma_start3A_381 = arith.constant 0 : i32
        %dma_start3A_382 = arith.constant 0 : i32
        %dma_start3A_383 = tpu.memref_slice %arg4[%dma_start3A, %dma_start3A_381, %dma_start3A_382] : memref<8x64x128xf32, #tpu.memory_space<vmem>> -> memref<1x64x128xf32, #tpu.memory_space<vmem>>
        %dma_start3A_384 = tpu.memref_squeeze %dma_start3A_383 : memref<1x64x128xf32, #tpu.memory_space<vmem>> -> memref<64x128xf32, #tpu.memory_space<vmem>>
        %dma_start3A_385 = arith.constant 0 : i32
        %dma_start3A_386 = tpu.memref_slice %arg2[%dma_start3A_385, %mul3A_371] : memref<64x1000000xf32, #tpu.memory_space<hbm>> -> memref<64x128xf32, #tpu.memory_space<hbm>>
        tpu.enqueue_dma source(%dma_start3A_386 : memref<64x128xf32, #tpu.memory_space<hbm>>) target(%dma_start3A_384 : memref<64x128xf32, #tpu.memory_space<vmem>>) target_semaphore(%dma_start3A_380 : memref<!tpu.dma_semaphore, #tpu.memory_space<semaphore_mem>>)
      } else {
      }
      %mul3A_215 = arith.constant 32 : i32
      %mul3A_216 = arith.muli %add3A_202, %mul3A_215 : i32
      %add3A_217 = arith.addi %add3A, %mul3A_216 : i32
      %lt3A_218 = arith.constant 7813 : i32
      %lt3A_219 = arith.cmpi slt, %add3A_217, %lt3A_218 : i32
      %convert_element_type3A_220 = arith.extui %lt3A_219 : i1 to i32
      %cond3A_221 = arith.constant 0 : i32
      %cond3A_222 = arith.cmpi ne, %convert_element_type3A_220, %cond3A_221 : i32
      scf.if %cond3A_222 {
        %mul3A_355 = arith.constant 32 : i32
        %mul3A_356 = arith.muli %add3A_202, %mul3A_355 : i32
        %add3A_357 = arith.addi %add3A, %mul3A_356 : i32
        %mul3A_358 = arith.constant 128 : i32
        %mul3A_359 = arith.muli %add3A_357, %mul3A_358 : i32
        %dma_wait3A = arith.constant 1 : i32
        %dma_wait3A_360 = arith.constant 1 : i32
        %dma_wait3A_361 = arith.constant 0 : i32
        %dma_wait3A_362 = arith.constant 0 : i32
        %dma_wait3A_363 = tpu.memref_slice %arg4[%dma_wait3A, %dma_wait3A_361, %dma_wait3A_362] : memref<8x64x128xf32, #tpu.memory_space<vmem>> -> memref<1x64x128xf32, #tpu.memory_space<vmem>>
        %dma_wait3A_364 = tpu.memref_squeeze %dma_wait3A_363 : memref<1x64x128xf32, #tpu.memory_space<vmem>> -> memref<64x128xf32, #tpu.memory_space<vmem>>
        %dma_wait3A_365 = arith.constant 0 : i32
        %dma_wait3A_366 = tpu.memref_slice %arg2[%dma_wait3A_365, %mul3A_359] : memref<64x1000000xf32, #tpu.memory_space<hbm>> -> memref<64x128xf32, #tpu.memory_space<hbm>>
        %dma_wait3A_367 = tpu.memref_slice %arg5[%dma_wait3A_360] : memref<8x!tpu.dma_semaphore, #tpu.memory_space<semaphore_mem>> -> memref<1x!tpu.dma_semaphore, #tpu.memory_space<semaphore_mem>>
        %dma_wait3A_368 = tpu.memref_squeeze %dma_wait3A_367 : memref<1x!tpu.dma_semaphore, #tpu.memory_space<semaphore_mem>> -> memref<!tpu.dma_semaphore, #tpu.memory_space<semaphore_mem>>
        %dma_wait3A_369 = arith.constant 0 : i32
        %dma_wait3A_370 = arith.constant 0 : i32
        %dma_wait3A_371 = tpu.memref_slice %arg4[%dma_wait3A, %dma_wait3A_369, %dma_wait3A_370] : memref<8x64x128xf32, #tpu.memory_space<vmem>> -> memref<1x64x128xf32, #tpu.memory_space<vmem>>
        %dma_wait3A_372 = tpu.memref_squeeze %dma_wait3A_371 : memref<1x64x128xf32, #tpu.memory_space<vmem>> -> memref<64x128xf32, #tpu.memory_space<vmem>>
        %dma_wait3A_373 = arith.constant 0 : i32
        %dma_wait3A_374 = tpu.memref_slice %arg2[%dma_wait3A_373, %mul3A_359] : memref<64x1000000xf32, #tpu.memory_space<hbm>> -> memref<64x128xf32, #tpu.memory_space<hbm>>
        tpu.wait_dma2 semaphore(%dma_wait3A_368 : memref<!tpu.dma_semaphore, #tpu.memory_space<semaphore_mem>>) src(%dma_wait3A_374 : memref<64x128xf32, #tpu.memory_space<hbm>>) dst(%dma_wait3A_372 : memref<64x128xf32, #tpu.memory_space<vmem>>)
        %mul3A_375 = arith.constant 32 : i32
        %mul3A_376 = arith.muli %add3A_202, %mul3A_375 : i32
        %add3A_377 = arith.addi %add3A, %mul3A_376 : i32
        %dma_start3A = arith.constant 1 : i32
        %dma_start3A_378 = arith.constant 1 : i32
        %dma_start3A_379 = arith.constant 0 : i32
        %dma_start3A_380 = arith.constant 0 : i32
        %dma_start3A_381 = tpu.memref_slice %arg4[%dma_start3A, %dma_start3A_379, %dma_start3A_380] : memref<8x64x128xf32, #tpu.memory_space<vmem>> -> memref<1x64x128xf32, #tpu.memory_space<vmem>>
        %dma_start3A_382 = tpu.memref_squeeze %dma_start3A_381 : memref<1x64x128xf32, #tpu.memory_space<vmem>> -> memref<64x128xf32, #tpu.memory_space<vmem>>
        %dma_start3A_383 = arith.constant 0 : i32
        %dma_start3A_384 = arith.constant 0 : i32
        %dma_start3A_385 = tpu.memref_slice %arg3[%add3A_377, %dma_start3A_383, %dma_start3A_384] : memref<7813x64x128xf32, #tpu.memory_space<hbm>> -> memref<1x64x128xf32, #tpu.memory_space<hbm>>
        %dma_start3A_386 = tpu.memref_squeeze %dma_start3A_385 : memref<1x64x128xf32, #tpu.memory_space<hbm>> -> memref<64x128xf32, #tpu.memory_space<hbm>>
        %dma_start3A_387 = tpu.memref_slice %arg6[%dma_start3A_378] : memref<8x!tpu.dma_semaphore, #tpu.memory_space<semaphore_mem>> -> memref<1x!tpu.dma_semaphore, #tpu.memory_space<semaphore_mem>>
        %dma_start3A_388 = tpu.memref_squeeze %dma_start3A_387 : memref<1x!tpu.dma_semaphore, #tpu.memory_space<semaphore_mem>> -> memref<!tpu.dma_semaphore, #tpu.memory_space<semaphore_mem>>
        %dma_start3A_389 = arith.constant 0 : i32
        %dma_start3A_390 = arith.constant 0 : i32
        %dma_start3A_391 = tpu.memref_slice %arg3[%add3A_377, %dma_start3A_389, %dma_start3A_390] : memref<7813x64x128xf32, #tpu.memory_space<hbm>> -> memref<1x64x128xf32, #tpu.memory_space<hbm>>
        %dma_start3A_392 = tpu.memref_squeeze %dma_start3A_391 : memref<1x64x128xf32, #tpu.memory_space<hbm>> -> memref<64x128xf32, #tpu.memory_space<hbm>>
        %dma_start3A_393 = arith.constant 0 : i32
        %dma_start3A_394 = arith.constant 0 : i32
        %dma_start3A_395 = tpu.memref_slice %arg4[%dma_start3A, %dma_start3A_393, %dma_start3A_394] : memref<8x64x128xf32, #tpu.memory_space<vmem>> -> memref<1x64x128xf32, #tpu.memory_space<vmem>>
        %dma_start3A_396 = tpu.memref_squeeze %dma_start3A_395 : memref<1x64x128xf32, #tpu.memory_space<vmem>> -> memref<64x128xf32, #tpu.memory_space<vmem>>
        tpu.enqueue_dma source(%dma_start3A_396 : memref<64x128xf32, #tpu.memory_space<vmem>>) target(%dma_start3A_392 : memref<64x128xf32, #tpu.memory_space<hbm>>) target_semaphore(%dma_start3A_388 : memref<!tpu.dma_semaphore, #tpu.memory_space<semaphore_mem>>)
      } else {
      }
      %add3A_223 = arith.constant 2 : i32
      %add3A_224 = arith.addi %add3A_179, %add3A_223 : i32
      %add3A_225 = arith.constant 8 : i32
      %add3A_226 = arith.addi %add3A_224, %add3A_225 : i32
      %sub3A_227 = arith.constant 1 : i32
      %sub3A_228 = arith.subi %add3A_226, %sub3A_227 : i32
      %mul3A_229 = arith.constant 32 : i32
      %mul3A_230 = arith.muli %sub3A_228, %mul3A_229 : i32
      %add3A_231 = arith.addi %add3A, %mul3A_230 : i32
      %lt3A_232 = arith.constant 7813 : i32
      %lt3A_233 = arith.cmpi slt, %add3A_231, %lt3A_232 : i32
      %convert_element_type3A_234 = arith.extui %lt3A_233 : i1 to i32
      %cond3A_235 = arith.constant 0 : i32
      %cond3A_236 = arith.cmpi ne, %convert_element_type3A_234, %cond3A_235 : i32
      scf.if %cond3A_236 {
        %add3A_355 = arith.constant 8 : i32
        %add3A_356 = arith.addi %add3A_224, %add3A_355 : i32
        %sub3A_357 = arith.constant 1 : i32
        %sub3A_358 = arith.subi %add3A_356, %sub3A_357 : i32
        %ge3A = arith.constant 8 : i32
        %ge3A_359 = arith.cmpi sge, %sub3A_358, %ge3A : i32
        %convert_element_type3A_360 = arith.extui %ge3A_359 : i1 to i32
        %cond3A_361 = arith.constant 0 : i32
        %cond3A_362 = arith.cmpi ne, %convert_element_type3A_360, %cond3A_361 : i32
        scf.if %cond3A_362 {
          %sub3A_387 = arith.constant 1 : i32
          %sub3A_388 = arith.subi %add3A_224, %sub3A_387 : i32
          %mul3A_389 = arith.constant 32 : i32
          %mul3A_390 = arith.muli %sub3A_388, %mul3A_389 : i32
          %add3A_391 = arith.addi %add3A, %mul3A_390 : i32
          %dma_wait3A = arith.constant 1 : i32
          %dma_wait3A_392 = arith.constant 1 : i32
          %dma_wait3A_393 = arith.constant 0 : i32
          %dma_wait3A_394 = arith.constant 0 : i32
          %dma_wait3A_395 = tpu.memref_slice %arg4[%dma_wait3A, %dma_wait3A_393, %dma_wait3A_394] : memref<8x64x128xf32, #tpu.memory_space<vmem>> -> memref<1x64x128xf32, #tpu.memory_space<vmem>>
          %dma_wait3A_396 = tpu.memref_squeeze %dma_wait3A_395 : memref<1x64x128xf32, #tpu.memory_space<vmem>> -> memref<64x128xf32, #tpu.memory_space<vmem>>
          %dma_wait3A_397 = arith.constant 0 : i32
          %dma_wait3A_398 = arith.constant 0 : i32
          %dma_wait3A_399 = tpu.memref_slice %arg3[%add3A_391, %dma_wait3A_397, %dma_wait3A_398] : memref<7813x64x128xf32, #tpu.memory_space<hbm>> -> memref<1x64x128xf32, #tpu.memory_space<hbm>>
          %dma_wait3A_400 = tpu.memref_squeeze %dma_wait3A_399 : memref<1x64x128xf32, #tpu.memory_space<hbm>> -> memref<64x128xf32, #tpu.memory_space<hbm>>
          %dma_wait3A_401 = tpu.memref_slice %arg6[%dma_wait3A_392] : memref<8x!tpu.dma_semaphore, #tpu.memory_space<semaphore_mem>> -> memref<1x!tpu.dma_semaphore, #tpu.memory_space<semaphore_mem>>
          %dma_wait3A_402 = tpu.memref_squeeze %dma_wait3A_401 : memref<1x!tpu.dma_semaphore, #tpu.memory_space<semaphore_mem>> -> memref<!tpu.dma_semaphore, #tpu.memory_space<semaphore_mem>>
          %dma_wait3A_403 = arith.constant 0 : i32
          %dma_wait3A_404 = arith.constant 0 : i32
          %dma_wait3A_405 = tpu.memref_slice %arg3[%add3A_391, %dma_wait3A_403, %dma_wait3A_404] : memref<7813x64x128xf32, #tpu.memory_space<hbm>> -> memref<1x64x128xf32, #tpu.memory_space<hbm>>
          %dma_wait3A_406 = tpu.memref_squeeze %dma_wait3A_405 : memref<1x64x128xf32, #tpu.memory_space<hbm>> -> memref<64x128xf32, #tpu.memory_space<hbm>>
          %dma_wait3A_407 = arith.constant 0 : i32
          %dma_wait3A_408 = arith.constant 0 : i32
          %dma_wait3A_409 = tpu.memref_slice %arg4[%dma_wait3A, %dma_wait3A_407, %dma_wait3A_408] : memref<8x64x128xf32, #tpu.memory_space<vmem>> -> memref<1x64x128xf32, #tpu.memory_space<vmem>>
          %dma_wait3A_410 = tpu.memref_squeeze %dma_wait3A_409 : memref<1x64x128xf32, #tpu.memory_space<vmem>> -> memref<64x128xf32, #tpu.memory_space<vmem>>
          tpu.wait_dma2 semaphore(%dma_wait3A_402 : memref<!tpu.dma_semaphore, #tpu.memory_space<semaphore_mem>>) src(%dma_wait3A_410 : memref<64x128xf32, #tpu.memory_space<vmem>>) dst(%dma_wait3A_406 : memref<64x128xf32, #tpu.memory_space<hbm>>)
        } else {
        }
        %add3A_363 = arith.constant 8 : i32
        %add3A_364 = arith.addi %add3A_224, %add3A_363 : i32
        %sub3A_365 = arith.constant 1 : i32
        %sub3A_366 = arith.subi %add3A_364, %sub3A_365 : i32
        %mul3A_367 = arith.constant 32 : i32
        %mul3A_368 = arith.muli %sub3A_366, %mul3A_367 : i32
        %add3A_369 = arith.addi %add3A, %mul3A_368 : i32
        %mul3A_370 = arith.constant 128 : i32
        %mul3A_371 = arith.muli %add3A_369, %mul3A_370 : i32
        %dma_start3A = arith.constant 1 : i32
        %dma_start3A_372 = arith.constant 1 : i32
        %dma_start3A_373 = arith.constant 0 : i32
        %dma_start3A_374 = arith.constant 0 : i32
        %dma_start3A_375 = tpu.memref_slice %arg4[%dma_start3A, %dma_start3A_373, %dma_start3A_374] : memref<8x64x128xf32, #tpu.memory_space<vmem>> -> memref<1x64x128xf32, #tpu.memory_space<vmem>>
        %dma_start3A_376 = tpu.memref_squeeze %dma_start3A_375 : memref<1x64x128xf32, #tpu.memory_space<vmem>> -> memref<64x128xf32, #tpu.memory_space<vmem>>
        %dma_start3A_377 = arith.constant 0 : i32
        %dma_start3A_378 = tpu.memref_slice %arg2[%dma_start3A_377, %mul3A_371] : memref<64x1000000xf32, #tpu.memory_space<hbm>> -> memref<64x128xf32, #tpu.memory_space<hbm>>
        %dma_start3A_379 = tpu.memref_slice %arg5[%dma_start3A_372] : memref<8x!tpu.dma_semaphore, #tpu.memory_space<semaphore_mem>> -> memref<1x!tpu.dma_semaphore, #tpu.memory_space<semaphore_mem>>
        %dma_start3A_380 = tpu.memref_squeeze %dma_start3A_379 : memref<1x!tpu.dma_semaphore, #tpu.memory_space<semaphore_mem>> -> memref<!tpu.dma_semaphore, #tpu.memory_space<semaphore_mem>>
        %dma_start3A_381 = arith.constant 0 : i32
        %dma_start3A_382 = arith.constant 0 : i32
        %dma_start3A_383 = tpu.memref_slice %arg4[%dma_start3A, %dma_start3A_381, %dma_start3A_382] : memref<8x64x128xf32, #tpu.memory_space<vmem>> -> memref<1x64x128xf32, #tpu.memory_space<vmem>>
        %dma_start3A_384 = tpu.memref_squeeze %dma_start3A_383 : memref<1x64x128xf32, #tpu.memory_space<vmem>> -> memref<64x128xf32, #tpu.memory_space<vmem>>
        %dma_start3A_385 = arith.constant 0 : i32
        %dma_start3A_386 = tpu.memref_slice %arg2[%dma_start3A_385, %mul3A_371] : memref<64x1000000xf32, #tpu.memory_space<hbm>> -> memref<64x128xf32, #tpu.memory_space<hbm>>
        tpu.enqueue_dma source(%dma_start3A_386 : memref<64x128xf32, #tpu.memory_space<hbm>>) target(%dma_start3A_384 : memref<64x128xf32, #tpu.memory_space<vmem>>) target_semaphore(%dma_start3A_380 : memref<!tpu.dma_semaphore, #tpu.memory_space<semaphore_mem>>)
      } else {
      }
      %mul3A_237 = arith.constant 32 : i32
      %mul3A_238 = arith.muli %add3A_224, %mul3A_237 : i32
      %add3A_239 = arith.addi %add3A, %mul3A_238 : i32
      %lt3A_240 = arith.constant 7813 : i32
      %lt3A_241 = arith.cmpi slt, %add3A_239, %lt3A_240 : i32
      %convert_element_type3A_242 = arith.extui %lt3A_241 : i1 to i32
      %cond3A_243 = arith.constant 0 : i32
      %cond3A_244 = arith.cmpi ne, %convert_element_type3A_242, %cond3A_243 : i32
      scf.if %cond3A_244 {
        %mul3A_355 = arith.constant 32 : i32
        %mul3A_356 = arith.muli %add3A_224, %mul3A_355 : i32
        %add3A_357 = arith.addi %add3A, %mul3A_356 : i32
        %mul3A_358 = arith.constant 128 : i32
        %mul3A_359 = arith.muli %add3A_357, %mul3A_358 : i32
        %dma_wait3A = arith.constant 2 : i32
        %dma_wait3A_360 = arith.constant 2 : i32
        %dma_wait3A_361 = arith.constant 0 : i32
        %dma_wait3A_362 = arith.constant 0 : i32
        %dma_wait3A_363 = tpu.memref_slice %arg4[%dma_wait3A, %dma_wait3A_361, %dma_wait3A_362] : memref<8x64x128xf32, #tpu.memory_space<vmem>> -> memref<1x64x128xf32, #tpu.memory_space<vmem>>
        %dma_wait3A_364 = tpu.memref_squeeze %dma_wait3A_363 : memref<1x64x128xf32, #tpu.memory_space<vmem>> -> memref<64x128xf32, #tpu.memory_space<vmem>>
        %dma_wait3A_365 = arith.constant 0 : i32
        %dma_wait3A_366 = tpu.memref_slice %arg2[%dma_wait3A_365, %mul3A_359] : memref<64x1000000xf32, #tpu.memory_space<hbm>> -> memref<64x128xf32, #tpu.memory_space<hbm>>
        %dma_wait3A_367 = tpu.memref_slice %arg5[%dma_wait3A_360] : memref<8x!tpu.dma_semaphore, #tpu.memory_space<semaphore_mem>> -> memref<1x!tpu.dma_semaphore, #tpu.memory_space<semaphore_mem>>
        %dma_wait3A_368 = tpu.memref_squeeze %dma_wait3A_367 : memref<1x!tpu.dma_semaphore, #tpu.memory_space<semaphore_mem>> -> memref<!tpu.dma_semaphore, #tpu.memory_space<semaphore_mem>>
        %dma_wait3A_369 = arith.constant 0 : i32
        %dma_wait3A_370 = arith.constant 0 : i32
        %dma_wait3A_371 = tpu.memref_slice %arg4[%dma_wait3A, %dma_wait3A_369, %dma_wait3A_370] : memref<8x64x128xf32, #tpu.memory_space<vmem>> -> memref<1x64x128xf32, #tpu.memory_space<vmem>>
        %dma_wait3A_372 = tpu.memref_squeeze %dma_wait3A_371 : memref<1x64x128xf32, #tpu.memory_space<vmem>> -> memref<64x128xf32, #tpu.memory_space<vmem>>
        %dma_wait3A_373 = arith.constant 0 : i32
        %dma_wait3A_374 = tpu.memref_slice %arg2[%dma_wait3A_373, %mul3A_359] : memref<64x1000000xf32, #tpu.memory_space<hbm>> -> memref<64x128xf32, #tpu.memory_space<hbm>>
        tpu.wait_dma2 semaphore(%dma_wait3A_368 : memref<!tpu.dma_semaphore, #tpu.memory_space<semaphore_mem>>) src(%dma_wait3A_374 : memref<64x128xf32, #tpu.memory_space<hbm>>) dst(%dma_wait3A_372 : memref<64x128xf32, #tpu.memory_space<vmem>>)
        %mul3A_375 = arith.constant 32 : i32
        %mul3A_376 = arith.muli %add3A_224, %mul3A_375 : i32
        %add3A_377 = arith.addi %add3A, %mul3A_376 : i32
        %dma_start3A = arith.constant 2 : i32
        %dma_start3A_378 = arith.constant 2 : i32
        %dma_start3A_379 = arith.constant 0 : i32
        %dma_start3A_380 = arith.constant 0 : i32
        %dma_start3A_381 = tpu.memref_slice %arg4[%dma_start3A, %dma_start3A_379, %dma_start3A_380] : memref<8x64x128xf32, #tpu.memory_space<vmem>> -> memref<1x64x128xf32, #tpu.memory_space<vmem>>
        %dma_start3A_382 = tpu.memref_squeeze %dma_start3A_381 : memref<1x64x128xf32, #tpu.memory_space<vmem>> -> memref<64x128xf32, #tpu.memory_space<vmem>>
        %dma_start3A_383 = arith.constant 0 : i32
        %dma_start3A_384 = arith.constant 0 : i32
        %dma_start3A_385 = tpu.memref_slice %arg3[%add3A_377, %dma_start3A_383, %dma_start3A_384] : memref<7813x64x128xf32, #tpu.memory_space<hbm>> -> memref<1x64x128xf32, #tpu.memory_space<hbm>>
        %dma_start3A_386 = tpu.memref_squeeze %dma_start3A_385 : memref<1x64x128xf32, #tpu.memory_space<hbm>> -> memref<64x128xf32, #tpu.memory_space<hbm>>
        %dma_start3A_387 = tpu.memref_slice %arg6[%dma_start3A_378] : memref<8x!tpu.dma_semaphore, #tpu.memory_space<semaphore_mem>> -> memref<1x!tpu.dma_semaphore, #tpu.memory_space<semaphore_mem>>
        %dma_start3A_388 = tpu.memref_squeeze %dma_start3A_387 : memref<1x!tpu.dma_semaphore, #tpu.memory_space<semaphore_mem>> -> memref<!tpu.dma_semaphore, #tpu.memory_space<semaphore_mem>>
        %dma_start3A_389 = arith.constant 0 : i32
        %dma_start3A_390 = arith.constant 0 : i32
        %dma_start3A_391 = tpu.memref_slice %arg3[%add3A_377, %dma_start3A_389, %dma_start3A_390] : memref<7813x64x128xf32, #tpu.memory_space<hbm>> -> memref<1x64x128xf32, #tpu.memory_space<hbm>>
        %dma_start3A_392 = tpu.memref_squeeze %dma_start3A_391 : memref<1x64x128xf32, #tpu.memory_space<hbm>> -> memref<64x128xf32, #tpu.memory_space<hbm>>
        %dma_start3A_393 = arith.constant 0 : i32
        %dma_start3A_394 = arith.constant 0 : i32
        %dma_start3A_395 = tpu.memref_slice %arg4[%dma_start3A, %dma_start3A_393, %dma_start3A_394] : memref<8x64x128xf32, #tpu.memory_space<vmem>> -> memref<1x64x128xf32, #tpu.memory_space<vmem>>
        %dma_start3A_396 = tpu.memref_squeeze %dma_start3A_395 : memref<1x64x128xf32, #tpu.memory_space<vmem>> -> memref<64x128xf32, #tpu.memory_space<vmem>>
        tpu.enqueue_dma source(%dma_start3A_396 : memref<64x128xf32, #tpu.memory_space<vmem>>) target(%dma_start3A_392 : memref<64x128xf32, #tpu.memory_space<hbm>>) target_semaphore(%dma_start3A_388 : memref<!tpu.dma_semaphore, #tpu.memory_space<semaphore_mem>>)
      } else {
      }
      %add3A_245 = arith.constant 3 : i32
      %add3A_246 = arith.addi %add3A_179, %add3A_245 : i32
      %add3A_247 = arith.constant 8 : i32
      %add3A_248 = arith.addi %add3A_246, %add3A_247 : i32
      %sub3A_249 = arith.constant 1 : i32
      %sub3A_250 = arith.subi %add3A_248, %sub3A_249 : i32
      %mul3A_251 = arith.constant 32 : i32
      %mul3A_252 = arith.muli %sub3A_250, %mul3A_251 : i32
      %add3A_253 = arith.addi %add3A, %mul3A_252 : i32
      %lt3A_254 = arith.constant 7813 : i32
      %lt3A_255 = arith.cmpi slt, %add3A_253, %lt3A_254 : i32
      %convert_element_type3A_256 = arith.extui %lt3A_255 : i1 to i32
      %cond3A_257 = arith.constant 0 : i32
      %cond3A_258 = arith.cmpi ne, %convert_element_type3A_256, %cond3A_257 : i32
      scf.if %cond3A_258 {
        %add3A_355 = arith.constant 8 : i32
        %add3A_356 = arith.addi %add3A_246, %add3A_355 : i32
        %sub3A_357 = arith.constant 1 : i32
        %sub3A_358 = arith.subi %add3A_356, %sub3A_357 : i32
        %ge3A = arith.constant 8 : i32
        %ge3A_359 = arith.cmpi sge, %sub3A_358, %ge3A : i32
        %convert_element_type3A_360 = arith.extui %ge3A_359 : i1 to i32
        %cond3A_361 = arith.constant 0 : i32
        %cond3A_362 = arith.cmpi ne, %convert_element_type3A_360, %cond3A_361 : i32
        scf.if %cond3A_362 {
          %sub3A_387 = arith.constant 1 : i32
          %sub3A_388 = arith.subi %add3A_246, %sub3A_387 : i32
          %mul3A_389 = arith.constant 32 : i32
          %mul3A_390 = arith.muli %sub3A_388, %mul3A_389 : i32
          %add3A_391 = arith.addi %add3A, %mul3A_390 : i32
          %dma_wait3A = arith.constant 2 : i32
          %dma_wait3A_392 = arith.constant 2 : i32
          %dma_wait3A_393 = arith.constant 0 : i32
          %dma_wait3A_394 = arith.constant 0 : i32
          %dma_wait3A_395 = tpu.memref_slice %arg4[%dma_wait3A, %dma_wait3A_393, %dma_wait3A_394] : memref<8x64x128xf32, #tpu.memory_space<vmem>> -> memref<1x64x128xf32, #tpu.memory_space<vmem>>
          %dma_wait3A_396 = tpu.memref_squeeze %dma_wait3A_395 : memref<1x64x128xf32, #tpu.memory_space<vmem>> -> memref<64x128xf32, #tpu.memory_space<vmem>>
          %dma_wait3A_397 = arith.constant 0 : i32
          %dma_wait3A_398 = arith.constant 0 : i32
          %dma_wait3A_399 = tpu.memref_slice %arg3[%add3A_391, %dma_wait3A_397, %dma_wait3A_398] : memref<7813x64x128xf32, #tpu.memory_space<hbm>> -> memref<1x64x128xf32, #tpu.memory_space<hbm>>
          %dma_wait3A_400 = tpu.memref_squeeze %dma_wait3A_399 : memref<1x64x128xf32, #tpu.memory_space<hbm>> -> memref<64x128xf32, #tpu.memory_space<hbm>>
          %dma_wait3A_401 = tpu.memref_slice %arg6[%dma_wait3A_392] : memref<8x!tpu.dma_semaphore, #tpu.memory_space<semaphore_mem>> -> memref<1x!tpu.dma_semaphore, #tpu.memory_space<semaphore_mem>>
          %dma_wait3A_402 = tpu.memref_squeeze %dma_wait3A_401 : memref<1x!tpu.dma_semaphore, #tpu.memory_space<semaphore_mem>> -> memref<!tpu.dma_semaphore, #tpu.memory_space<semaphore_mem>>
          %dma_wait3A_403 = arith.constant 0 : i32
          %dma_wait3A_404 = arith.constant 0 : i32
          %dma_wait3A_405 = tpu.memref_slice %arg3[%add3A_391, %dma_wait3A_403, %dma_wait3A_404] : memref<7813x64x128xf32, #tpu.memory_space<hbm>> -> memref<1x64x128xf32, #tpu.memory_space<hbm>>
          %dma_wait3A_406 = tpu.memref_squeeze %dma_wait3A_405 : memref<1x64x128xf32, #tpu.memory_space<hbm>> -> memref<64x128xf32, #tpu.memory_space<hbm>>
          %dma_wait3A_407 = arith.constant 0 : i32
          %dma_wait3A_408 = arith.constant 0 : i32
          %dma_wait3A_409 = tpu.memref_slice %arg4[%dma_wait3A, %dma_wait3A_407, %dma_wait3A_408] : memref<8x64x128xf32, #tpu.memory_space<vmem>> -> memref<1x64x128xf32, #tpu.memory_space<vmem>>
          %dma_wait3A_410 = tpu.memref_squeeze %dma_wait3A_409 : memref<1x64x128xf32, #tpu.memory_space<vmem>> -> memref<64x128xf32, #tpu.memory_space<vmem>>
          tpu.wait_dma2 semaphore(%dma_wait3A_402 : memref<!tpu.dma_semaphore, #tpu.memory_space<semaphore_mem>>) src(%dma_wait3A_410 : memref<64x128xf32, #tpu.memory_space<vmem>>) dst(%dma_wait3A_406 : memref<64x128xf32, #tpu.memory_space<hbm>>)
        } else {
        }
        %add3A_363 = arith.constant 8 : i32
        %add3A_364 = arith.addi %add3A_246, %add3A_363 : i32
        %sub3A_365 = arith.constant 1 : i32
        %sub3A_366 = arith.subi %add3A_364, %sub3A_365 : i32
        %mul3A_367 = arith.constant 32 : i32
        %mul3A_368 = arith.muli %sub3A_366, %mul3A_367 : i32
        %add3A_369 = arith.addi %add3A, %mul3A_368 : i32
        %mul3A_370 = arith.constant 128 : i32
        %mul3A_371 = arith.muli %add3A_369, %mul3A_370 : i32
        %dma_start3A = arith.constant 2 : i32
        %dma_start3A_372 = arith.constant 2 : i32
        %dma_start3A_373 = arith.constant 0 : i32
        %dma_start3A_374 = arith.constant 0 : i32
        %dma_start3A_375 = tpu.memref_slice %arg4[%dma_start3A, %dma_start3A_373, %dma_start3A_374] : memref<8x64x128xf32, #tpu.memory_space<vmem>> -> memref<1x64x128xf32, #tpu.memory_space<vmem>>
        %dma_start3A_376 = tpu.memref_squeeze %dma_start3A_375 : memref<1x64x128xf32, #tpu.memory_space<vmem>> -> memref<64x128xf32, #tpu.memory_space<vmem>>
        %dma_start3A_377 = arith.constant 0 : i32
        %dma_start3A_378 = tpu.memref_slice %arg2[%dma_start3A_377, %mul3A_371] : memref<64x1000000xf32, #tpu.memory_space<hbm>> -> memref<64x128xf32, #tpu.memory_space<hbm>>
        %dma_start3A_379 = tpu.memref_slice %arg5[%dma_start3A_372] : memref<8x!tpu.dma_semaphore, #tpu.memory_space<semaphore_mem>> -> memref<1x!tpu.dma_semaphore, #tpu.memory_space<semaphore_mem>>
        %dma_start3A_380 = tpu.memref_squeeze %dma_start3A_379 : memref<1x!tpu.dma_semaphore, #tpu.memory_space<semaphore_mem>> -> memref<!tpu.dma_semaphore, #tpu.memory_space<semaphore_mem>>
        %dma_start3A_381 = arith.constant 0 : i32
        %dma_start3A_382 = arith.constant 0 : i32
        %dma_start3A_383 = tpu.memref_slice %arg4[%dma_start3A, %dma_start3A_381, %dma_start3A_382] : memref<8x64x128xf32, #tpu.memory_space<vmem>> -> memref<1x64x128xf32, #tpu.memory_space<vmem>>
        %dma_start3A_384 = tpu.memref_squeeze %dma_start3A_383 : memref<1x64x128xf32, #tpu.memory_space<vmem>> -> memref<64x128xf32, #tpu.memory_space<vmem>>
        %dma_start3A_385 = arith.constant 0 : i32
        %dma_start3A_386 = tpu.memref_slice %arg2[%dma_start3A_385, %mul3A_371] : memref<64x1000000xf32, #tpu.memory_space<hbm>> -> memref<64x128xf32, #tpu.memory_space<hbm>>
        tpu.enqueue_dma source(%dma_start3A_386 : memref<64x128xf32, #tpu.memory_space<hbm>>) target(%dma_start3A_384 : memref<64x128xf32, #tpu.memory_space<vmem>>) target_semaphore(%dma_start3A_380 : memref<!tpu.dma_semaphore, #tpu.memory_space<semaphore_mem>>)
      } else {
      }
      %mul3A_259 = arith.constant 32 : i32
      %mul3A_260 = arith.muli %add3A_246, %mul3A_259 : i32
      %add3A_261 = arith.addi %add3A, %mul3A_260 : i32
      %lt3A_262 = arith.constant 7813 : i32
      %lt3A_263 = arith.cmpi slt, %add3A_261, %lt3A_262 : i32
      %convert_element_type3A_264 = arith.extui %lt3A_263 : i1 to i32
      %cond3A_265 = arith.constant 0 : i32
      %cond3A_266 = arith.cmpi ne, %convert_element_type3A_264, %cond3A_265 : i32
      scf.if %cond3A_266 {
        %mul3A_355 = arith.constant 32 : i32
        %mul3A_356 = arith.muli %add3A_246, %mul3A_355 : i32
        %add3A_357 = arith.addi %add3A, %mul3A_356 : i32
        %mul3A_358 = arith.constant 128 : i32
        %mul3A_359 = arith.muli %add3A_357, %mul3A_358 : i32
        %dma_wait3A = arith.constant 3 : i32
        %dma_wait3A_360 = arith.constant 3 : i32
        %dma_wait3A_361 = arith.constant 0 : i32
        %dma_wait3A_362 = arith.constant 0 : i32
        %dma_wait3A_363 = tpu.memref_slice %arg4[%dma_wait3A, %dma_wait3A_361, %dma_wait3A_362] : memref<8x64x128xf32, #tpu.memory_space<vmem>> -> memref<1x64x128xf32, #tpu.memory_space<vmem>>
        %dma_wait3A_364 = tpu.memref_squeeze %dma_wait3A_363 : memref<1x64x128xf32, #tpu.memory_space<vmem>> -> memref<64x128xf32, #tpu.memory_space<vmem>>
        %dma_wait3A_365 = arith.constant 0 : i32
        %dma_wait3A_366 = tpu.memref_slice %arg2[%dma_wait3A_365, %mul3A_359] : memref<64x1000000xf32, #tpu.memory_space<hbm>> -> memref<64x128xf32, #tpu.memory_space<hbm>>
        %dma_wait3A_367 = tpu.memref_slice %arg5[%dma_wait3A_360] : memref<8x!tpu.dma_semaphore, #tpu.memory_space<semaphore_mem>> -> memref<1x!tpu.dma_semaphore, #tpu.memory_space<semaphore_mem>>
        %dma_wait3A_368 = tpu.memref_squeeze %dma_wait3A_367 : memref<1x!tpu.dma_semaphore, #tpu.memory_space<semaphore_mem>> -> memref<!tpu.dma_semaphore, #tpu.memory_space<semaphore_mem>>
        %dma_wait3A_369 = arith.constant 0 : i32
        %dma_wait3A_370 = arith.constant 0 : i32
        %dma_wait3A_371 = tpu.memref_slice %arg4[%dma_wait3A, %dma_wait3A_369, %dma_wait3A_370] : memref<8x64x128xf32, #tpu.memory_space<vmem>> -> memref<1x64x128xf32, #tpu.memory_space<vmem>>
        %dma_wait3A_372 = tpu.memref_squeeze %dma_wait3A_371 : memref<1x64x128xf32, #tpu.memory_space<vmem>> -> memref<64x128xf32, #tpu.memory_space<vmem>>
        %dma_wait3A_373 = arith.constant 0 : i32
        %dma_wait3A_374 = tpu.memref_slice %arg2[%dma_wait3A_373, %mul3A_359] : memref<64x1000000xf32, #tpu.memory_space<hbm>> -> memref<64x128xf32, #tpu.memory_space<hbm>>
        tpu.wait_dma2 semaphore(%dma_wait3A_368 : memref<!tpu.dma_semaphore, #tpu.memory_space<semaphore_mem>>) src(%dma_wait3A_374 : memref<64x128xf32, #tpu.memory_space<hbm>>) dst(%dma_wait3A_372 : memref<64x128xf32, #tpu.memory_space<vmem>>)
        %mul3A_375 = arith.constant 32 : i32
        %mul3A_376 = arith.muli %add3A_246, %mul3A_375 : i32
        %add3A_377 = arith.addi %add3A, %mul3A_376 : i32
        %dma_start3A = arith.constant 3 : i32
        %dma_start3A_378 = arith.constant 3 : i32
        %dma_start3A_379 = arith.constant 0 : i32
        %dma_start3A_380 = arith.constant 0 : i32
        %dma_start3A_381 = tpu.memref_slice %arg4[%dma_start3A, %dma_start3A_379, %dma_start3A_380] : memref<8x64x128xf32, #tpu.memory_space<vmem>> -> memref<1x64x128xf32, #tpu.memory_space<vmem>>
        %dma_start3A_382 = tpu.memref_squeeze %dma_start3A_381 : memref<1x64x128xf32, #tpu.memory_space<vmem>> -> memref<64x128xf32, #tpu.memory_space<vmem>>
        %dma_start3A_383 = arith.constant 0 : i32
        %dma_start3A_384 = arith.constant 0 : i32
        %dma_start3A_385 = tpu.memref_slice %arg3[%add3A_377, %dma_start3A_383, %dma_start3A_384] : memref<7813x64x128xf32, #tpu.memory_space<hbm>> -> memref<1x64x128xf32, #tpu.memory_space<hbm>>
        %dma_start3A_386 = tpu.memref_squeeze %dma_start3A_385 : memref<1x64x128xf32, #tpu.memory_space<hbm>> -> memref<64x128xf32, #tpu.memory_space<hbm>>
        %dma_start3A_387 = tpu.memref_slice %arg6[%dma_start3A_378] : memref<8x!tpu.dma_semaphore, #tpu.memory_space<semaphore_mem>> -> memref<1x!tpu.dma_semaphore, #tpu.memory_space<semaphore_mem>>
        %dma_start3A_388 = tpu.memref_squeeze %dma_start3A_387 : memref<1x!tpu.dma_semaphore, #tpu.memory_space<semaphore_mem>> -> memref<!tpu.dma_semaphore, #tpu.memory_space<semaphore_mem>>
        %dma_start3A_389 = arith.constant 0 : i32
        %dma_start3A_390 = arith.constant 0 : i32
        %dma_start3A_391 = tpu.memref_slice %arg3[%add3A_377, %dma_start3A_389, %dma_start3A_390] : memref<7813x64x128xf32, #tpu.memory_space<hbm>> -> memref<1x64x128xf32, #tpu.memory_space<hbm>>
        %dma_start3A_392 = tpu.memref_squeeze %dma_start3A_391 : memref<1x64x128xf32, #tpu.memory_space<hbm>> -> memref<64x128xf32, #tpu.memory_space<hbm>>
        %dma_start3A_393 = arith.constant 0 : i32
        %dma_start3A_394 = arith.constant 0 : i32
        %dma_start3A_395 = tpu.memref_slice %arg4[%dma_start3A, %dma_start3A_393, %dma_start3A_394] : memref<8x64x128xf32, #tpu.memory_space<vmem>> -> memref<1x64x128xf32, #tpu.memory_space<vmem>>
        %dma_start3A_396 = tpu.memref_squeeze %dma_start3A_395 : memref<1x64x128xf32, #tpu.memory_space<vmem>> -> memref<64x128xf32, #tpu.memory_space<vmem>>
        tpu.enqueue_dma source(%dma_start3A_396 : memref<64x128xf32, #tpu.memory_space<vmem>>) target(%dma_start3A_392 : memref<64x128xf32, #tpu.memory_space<hbm>>) target_semaphore(%dma_start3A_388 : memref<!tpu.dma_semaphore, #tpu.memory_space<semaphore_mem>>)
      } else {
      }
      %add3A_267 = arith.constant 4 : i32
      %add3A_268 = arith.addi %add3A_179, %add3A_267 : i32
      %add3A_269 = arith.constant 8 : i32
      %add3A_270 = arith.addi %add3A_268, %add3A_269 : i32
      %sub3A_271 = arith.constant 1 : i32
      %sub3A_272 = arith.subi %add3A_270, %sub3A_271 : i32
      %mul3A_273 = arith.constant 32 : i32
      %mul3A_274 = arith.muli %sub3A_272, %mul3A_273 : i32
      %add3A_275 = arith.addi %add3A, %mul3A_274 : i32
      %lt3A_276 = arith.constant 7813 : i32
      %lt3A_277 = arith.cmpi slt, %add3A_275, %lt3A_276 : i32
      %convert_element_type3A_278 = arith.extui %lt3A_277 : i1 to i32
      %cond3A_279 = arith.constant 0 : i32
      %cond3A_280 = arith.cmpi ne, %convert_element_type3A_278, %cond3A_279 : i32
      scf.if %cond3A_280 {
        %add3A_355 = arith.constant 8 : i32
        %add3A_356 = arith.addi %add3A_268, %add3A_355 : i32
        %sub3A_357 = arith.constant 1 : i32
        %sub3A_358 = arith.subi %add3A_356, %sub3A_357 : i32
        %ge3A = arith.constant 8 : i32
        %ge3A_359 = arith.cmpi sge, %sub3A_358, %ge3A : i32
        %convert_element_type3A_360 = arith.extui %ge3A_359 : i1 to i32
        %cond3A_361 = arith.constant 0 : i32
        %cond3A_362 = arith.cmpi ne, %convert_element_type3A_360, %cond3A_361 : i32
        scf.if %cond3A_362 {
          %sub3A_387 = arith.constant 1 : i32
          %sub3A_388 = arith.subi %add3A_268, %sub3A_387 : i32
          %mul3A_389 = arith.constant 32 : i32
          %mul3A_390 = arith.muli %sub3A_388, %mul3A_389 : i32
          %add3A_391 = arith.addi %add3A, %mul3A_390 : i32
          %dma_wait3A = arith.constant 3 : i32
          %dma_wait3A_392 = arith.constant 3 : i32
          %dma_wait3A_393 = arith.constant 0 : i32
          %dma_wait3A_394 = arith.constant 0 : i32
          %dma_wait3A_395 = tpu.memref_slice %arg4[%dma_wait3A, %dma_wait3A_393, %dma_wait3A_394] : memref<8x64x128xf32, #tpu.memory_space<vmem>> -> memref<1x64x128xf32, #tpu.memory_space<vmem>>
          %dma_wait3A_396 = tpu.memref_squeeze %dma_wait3A_395 : memref<1x64x128xf32, #tpu.memory_space<vmem>> -> memref<64x128xf32, #tpu.memory_space<vmem>>
          %dma_wait3A_397 = arith.constant 0 : i32
          %dma_wait3A_398 = arith.constant 0 : i32
          %dma_wait3A_399 = tpu.memref_slice %arg3[%add3A_391, %dma_wait3A_397, %dma_wait3A_398] : memref<7813x64x128xf32, #tpu.memory_space<hbm>> -> memref<1x64x128xf32, #tpu.memory_space<hbm>>
          %dma_wait3A_400 = tpu.memref_squeeze %dma_wait3A_399 : memref<1x64x128xf32, #tpu.memory_space<hbm>> -> memref<64x128xf32, #tpu.memory_space<hbm>>
          %dma_wait3A_401 = tpu.memref_slice %arg6[%dma_wait3A_392] : memref<8x!tpu.dma_semaphore, #tpu.memory_space<semaphore_mem>> -> memref<1x!tpu.dma_semaphore, #tpu.memory_space<semaphore_mem>>
          %dma_wait3A_402 = tpu.memref_squeeze %dma_wait3A_401 : memref<1x!tpu.dma_semaphore, #tpu.memory_space<semaphore_mem>> -> memref<!tpu.dma_semaphore, #tpu.memory_space<semaphore_mem>>
          %dma_wait3A_403 = arith.constant 0 : i32
          %dma_wait3A_404 = arith.constant 0 : i32
          %dma_wait3A_405 = tpu.memref_slice %arg3[%add3A_391, %dma_wait3A_403, %dma_wait3A_404] : memref<7813x64x128xf32, #tpu.memory_space<hbm>> -> memref<1x64x128xf32, #tpu.memory_space<hbm>>
          %dma_wait3A_406 = tpu.memref_squeeze %dma_wait3A_405 : memref<1x64x128xf32, #tpu.memory_space<hbm>> -> memref<64x128xf32, #tpu.memory_space<hbm>>
          %dma_wait3A_407 = arith.constant 0 : i32
          %dma_wait3A_408 = arith.constant 0 : i32
          %dma_wait3A_409 = tpu.memref_slice %arg4[%dma_wait3A, %dma_wait3A_407, %dma_wait3A_408] : memref<8x64x128xf32, #tpu.memory_space<vmem>> -> memref<1x64x128xf32, #tpu.memory_space<vmem>>
          %dma_wait3A_410 = tpu.memref_squeeze %dma_wait3A_409 : memref<1x64x128xf32, #tpu.memory_space<vmem>> -> memref<64x128xf32, #tpu.memory_space<vmem>>
          tpu.wait_dma2 semaphore(%dma_wait3A_402 : memref<!tpu.dma_semaphore, #tpu.memory_space<semaphore_mem>>) src(%dma_wait3A_410 : memref<64x128xf32, #tpu.memory_space<vmem>>) dst(%dma_wait3A_406 : memref<64x128xf32, #tpu.memory_space<hbm>>)
        } else {
        }
        %add3A_363 = arith.constant 8 : i32
        %add3A_364 = arith.addi %add3A_268, %add3A_363 : i32
        %sub3A_365 = arith.constant 1 : i32
        %sub3A_366 = arith.subi %add3A_364, %sub3A_365 : i32
        %mul3A_367 = arith.constant 32 : i32
        %mul3A_368 = arith.muli %sub3A_366, %mul3A_367 : i32
        %add3A_369 = arith.addi %add3A, %mul3A_368 : i32
        %mul3A_370 = arith.constant 128 : i32
        %mul3A_371 = arith.muli %add3A_369, %mul3A_370 : i32
        %dma_start3A = arith.constant 3 : i32
        %dma_start3A_372 = arith.constant 3 : i32
        %dma_start3A_373 = arith.constant 0 : i32
        %dma_start3A_374 = arith.constant 0 : i32
        %dma_start3A_375 = tpu.memref_slice %arg4[%dma_start3A, %dma_start3A_373, %dma_start3A_374] : memref<8x64x128xf32, #tpu.memory_space<vmem>> -> memref<1x64x128xf32, #tpu.memory_space<vmem>>
        %dma_start3A_376 = tpu.memref_squeeze %dma_start3A_375 : memref<1x64x128xf32, #tpu.memory_space<vmem>> -> memref<64x128xf32, #tpu.memory_space<vmem>>
        %dma_start3A_377 = arith.constant 0 : i32
        %dma_start3A_378 = tpu.memref_slice %arg2[%dma_start3A_377, %mul3A_371] : memref<64x1000000xf32, #tpu.memory_space<hbm>> -> memref<64x128xf32, #tpu.memory_space<hbm>>
        %dma_start3A_379 = tpu.memref_slice %arg5[%dma_start3A_372] : memref<8x!tpu.dma_semaphore, #tpu.memory_space<semaphore_mem>> -> memref<1x!tpu.dma_semaphore, #tpu.memory_space<semaphore_mem>>
        %dma_start3A_380 = tpu.memref_squeeze %dma_start3A_379 : memref<1x!tpu.dma_semaphore, #tpu.memory_space<semaphore_mem>> -> memref<!tpu.dma_semaphore, #tpu.memory_space<semaphore_mem>>
        %dma_start3A_381 = arith.constant 0 : i32
        %dma_start3A_382 = arith.constant 0 : i32
        %dma_start3A_383 = tpu.memref_slice %arg4[%dma_start3A, %dma_start3A_381, %dma_start3A_382] : memref<8x64x128xf32, #tpu.memory_space<vmem>> -> memref<1x64x128xf32, #tpu.memory_space<vmem>>
        %dma_start3A_384 = tpu.memref_squeeze %dma_start3A_383 : memref<1x64x128xf32, #tpu.memory_space<vmem>> -> memref<64x128xf32, #tpu.memory_space<vmem>>
        %dma_start3A_385 = arith.constant 0 : i32
        %dma_start3A_386 = tpu.memref_slice %arg2[%dma_start3A_385, %mul3A_371] : memref<64x1000000xf32, #tpu.memory_space<hbm>> -> memref<64x128xf32, #tpu.memory_space<hbm>>
        tpu.enqueue_dma source(%dma_start3A_386 : memref<64x128xf32, #tpu.memory_space<hbm>>) target(%dma_start3A_384 : memref<64x128xf32, #tpu.memory_space<vmem>>) target_semaphore(%dma_start3A_380 : memref<!tpu.dma_semaphore, #tpu.memory_space<semaphore_mem>>)
      } else {
      }
      %mul3A_281 = arith.constant 32 : i32
      %mul3A_282 = arith.muli %add3A_268, %mul3A_281 : i32
      %add3A_283 = arith.addi %add3A, %mul3A_282 : i32
      %lt3A_284 = arith.constant 7813 : i32
      %lt3A_285 = arith.cmpi slt, %add3A_283, %lt3A_284 : i32
      %convert_element_type3A_286 = arith.extui %lt3A_285 : i1 to i32
      %cond3A_287 = arith.constant 0 : i32
      %cond3A_288 = arith.cmpi ne, %convert_element_type3A_286, %cond3A_287 : i32
      scf.if %cond3A_288 {
        %mul3A_355 = arith.constant 32 : i32
        %mul3A_356 = arith.muli %add3A_268, %mul3A_355 : i32
        %add3A_357 = arith.addi %add3A, %mul3A_356 : i32
        %mul3A_358 = arith.constant 128 : i32
        %mul3A_359 = arith.muli %add3A_357, %mul3A_358 : i32
        %dma_wait3A = arith.constant 4 : i32
        %dma_wait3A_360 = arith.constant 4 : i32
        %dma_wait3A_361 = arith.constant 0 : i32
        %dma_wait3A_362 = arith.constant 0 : i32
        %dma_wait3A_363 = tpu.memref_slice %arg4[%dma_wait3A, %dma_wait3A_361, %dma_wait3A_362] : memref<8x64x128xf32, #tpu.memory_space<vmem>> -> memref<1x64x128xf32, #tpu.memory_space<vmem>>
        %dma_wait3A_364 = tpu.memref_squeeze %dma_wait3A_363 : memref<1x64x128xf32, #tpu.memory_space<vmem>> -> memref<64x128xf32, #tpu.memory_space<vmem>>
        %dma_wait3A_365 = arith.constant 0 : i32
        %dma_wait3A_366 = tpu.memref_slice %arg2[%dma_wait3A_365, %mul3A_359] : memref<64x1000000xf32, #tpu.memory_space<hbm>> -> memref<64x128xf32, #tpu.memory_space<hbm>>
        %dma_wait3A_367 = tpu.memref_slice %arg5[%dma_wait3A_360] : memref<8x!tpu.dma_semaphore, #tpu.memory_space<semaphore_mem>> -> memref<1x!tpu.dma_semaphore, #tpu.memory_space<semaphore_mem>>
        %dma_wait3A_368 = tpu.memref_squeeze %dma_wait3A_367 : memref<1x!tpu.dma_semaphore, #tpu.memory_space<semaphore_mem>> -> memref<!tpu.dma_semaphore, #tpu.memory_space<semaphore_mem>>
        %dma_wait3A_369 = arith.constant 0 : i32
        %dma_wait3A_370 = arith.constant 0 : i32
        %dma_wait3A_371 = tpu.memref_slice %arg4[%dma_wait3A, %dma_wait3A_369, %dma_wait3A_370] : memref<8x64x128xf32, #tpu.memory_space<vmem>> -> memref<1x64x128xf32, #tpu.memory_space<vmem>>
        %dma_wait3A_372 = tpu.memref_squeeze %dma_wait3A_371 : memref<1x64x128xf32, #tpu.memory_space<vmem>> -> memref<64x128xf32, #tpu.memory_space<vmem>>
        %dma_wait3A_373 = arith.constant 0 : i32
        %dma_wait3A_374 = tpu.memref_slice %arg2[%dma_wait3A_373, %mul3A_359] : memref<64x1000000xf32, #tpu.memory_space<hbm>> -> memref<64x128xf32, #tpu.memory_space<hbm>>
        tpu.wait_dma2 semaphore(%dma_wait3A_368 : memref<!tpu.dma_semaphore, #tpu.memory_space<semaphore_mem>>) src(%dma_wait3A_374 : memref<64x128xf32, #tpu.memory_space<hbm>>) dst(%dma_wait3A_372 : memref<64x128xf32, #tpu.memory_space<vmem>>)
        %mul3A_375 = arith.constant 32 : i32
        %mul3A_376 = arith.muli %add3A_268, %mul3A_375 : i32
        %add3A_377 = arith.addi %add3A, %mul3A_376 : i32
        %dma_start3A = arith.constant 4 : i32
        %dma_start3A_378 = arith.constant 4 : i32
        %dma_start3A_379 = arith.constant 0 : i32
        %dma_start3A_380 = arith.constant 0 : i32
        %dma_start3A_381 = tpu.memref_slice %arg4[%dma_start3A, %dma_start3A_379, %dma_start3A_380] : memref<8x64x128xf32, #tpu.memory_space<vmem>> -> memref<1x64x128xf32, #tpu.memory_space<vmem>>
        %dma_start3A_382 = tpu.memref_squeeze %dma_start3A_381 : memref<1x64x128xf32, #tpu.memory_space<vmem>> -> memref<64x128xf32, #tpu.memory_space<vmem>>
        %dma_start3A_383 = arith.constant 0 : i32
        %dma_start3A_384 = arith.constant 0 : i32
        %dma_start3A_385 = tpu.memref_slice %arg3[%add3A_377, %dma_start3A_383, %dma_start3A_384] : memref<7813x64x128xf32, #tpu.memory_space<hbm>> -> memref<1x64x128xf32, #tpu.memory_space<hbm>>
        %dma_start3A_386 = tpu.memref_squeeze %dma_start3A_385 : memref<1x64x128xf32, #tpu.memory_space<hbm>> -> memref<64x128xf32, #tpu.memory_space<hbm>>
        %dma_start3A_387 = tpu.memref_slice %arg6[%dma_start3A_378] : memref<8x!tpu.dma_semaphore, #tpu.memory_space<semaphore_mem>> -> memref<1x!tpu.dma_semaphore, #tpu.memory_space<semaphore_mem>>
        %dma_start3A_388 = tpu.memref_squeeze %dma_start3A_387 : memref<1x!tpu.dma_semaphore, #tpu.memory_space<semaphore_mem>> -> memref<!tpu.dma_semaphore, #tpu.memory_space<semaphore_mem>>
        %dma_start3A_389 = arith.constant 0 : i32
        %dma_start3A_390 = arith.constant 0 : i32
        %dma_start3A_391 = tpu.memref_slice %arg3[%add3A_377, %dma_start3A_389, %dma_start3A_390] : memref<7813x64x128xf32, #tpu.memory_space<hbm>> -> memref<1x64x128xf32, #tpu.memory_space<hbm>>
        %dma_start3A_392 = tpu.memref_squeeze %dma_start3A_391 : memref<1x64x128xf32, #tpu.memory_space<hbm>> -> memref<64x128xf32, #tpu.memory_space<hbm>>
        %dma_start3A_393 = arith.constant 0 : i32
        %dma_start3A_394 = arith.constant 0 : i32
        %dma_start3A_395 = tpu.memref_slice %arg4[%dma_start3A, %dma_start3A_393, %dma_start3A_394] : memref<8x64x128xf32, #tpu.memory_space<vmem>> -> memref<1x64x128xf32, #tpu.memory_space<vmem>>
        %dma_start3A_396 = tpu.memref_squeeze %dma_start3A_395 : memref<1x64x128xf32, #tpu.memory_space<vmem>> -> memref<64x128xf32, #tpu.memory_space<vmem>>
        tpu.enqueue_dma source(%dma_start3A_396 : memref<64x128xf32, #tpu.memory_space<vmem>>) target(%dma_start3A_392 : memref<64x128xf32, #tpu.memory_space<hbm>>) target_semaphore(%dma_start3A_388 : memref<!tpu.dma_semaphore, #tpu.memory_space<semaphore_mem>>)
      } else {
      }
      %add3A_289 = arith.constant 5 : i32
      %add3A_290 = arith.addi %add3A_179, %add3A_289 : i32
      %add3A_291 = arith.constant 8 : i32
      %add3A_292 = arith.addi %add3A_290, %add3A_291 : i32
      %sub3A_293 = arith.constant 1 : i32
      %sub3A_294 = arith.subi %add3A_292, %sub3A_293 : i32
      %mul3A_295 = arith.constant 32 : i32
      %mul3A_296 = arith.muli %sub3A_294, %mul3A_295 : i32
      %add3A_297 = arith.addi %add3A, %mul3A_296 : i32
      %lt3A_298 = arith.constant 7813 : i32
      %lt3A_299 = arith.cmpi slt, %add3A_297, %lt3A_298 : i32
      %convert_element_type3A_300 = arith.extui %lt3A_299 : i1 to i32
      %cond3A_301 = arith.constant 0 : i32
      %cond3A_302 = arith.cmpi ne, %convert_element_type3A_300, %cond3A_301 : i32
      scf.if %cond3A_302 {
        %add3A_355 = arith.constant 8 : i32
        %add3A_356 = arith.addi %add3A_290, %add3A_355 : i32
        %sub3A_357 = arith.constant 1 : i32
        %sub3A_358 = arith.subi %add3A_356, %sub3A_357 : i32
        %ge3A = arith.constant 8 : i32
        %ge3A_359 = arith.cmpi sge, %sub3A_358, %ge3A : i32
        %convert_element_type3A_360 = arith.extui %ge3A_359 : i1 to i32
        %cond3A_361 = arith.constant 0 : i32
        %cond3A_362 = arith.cmpi ne, %convert_element_type3A_360, %cond3A_361 : i32
        scf.if %cond3A_362 {
          %sub3A_387 = arith.constant 1 : i32
          %sub3A_388 = arith.subi %add3A_290, %sub3A_387 : i32
          %mul3A_389 = arith.constant 32 : i32
          %mul3A_390 = arith.muli %sub3A_388, %mul3A_389 : i32
          %add3A_391 = arith.addi %add3A, %mul3A_390 : i32
          %dma_wait3A = arith.constant 4 : i32
          %dma_wait3A_392 = arith.constant 4 : i32
          %dma_wait3A_393 = arith.constant 0 : i32
          %dma_wait3A_394 = arith.constant 0 : i32
          %dma_wait3A_395 = tpu.memref_slice %arg4[%dma_wait3A, %dma_wait3A_393, %dma_wait3A_394] : memref<8x64x128xf32, #tpu.memory_space<vmem>> -> memref<1x64x128xf32, #tpu.memory_space<vmem>>
          %dma_wait3A_396 = tpu.memref_squeeze %dma_wait3A_395 : memref<1x64x128xf32, #tpu.memory_space<vmem>> -> memref<64x128xf32, #tpu.memory_space<vmem>>
          %dma_wait3A_397 = arith.constant 0 : i32
          %dma_wait3A_398 = arith.constant 0 : i32
          %dma_wait3A_399 = tpu.memref_slice %arg3[%add3A_391, %dma_wait3A_397, %dma_wait3A_398] : memref<7813x64x128xf32, #tpu.memory_space<hbm>> -> memref<1x64x128xf32, #tpu.memory_space<hbm>>
          %dma_wait3A_400 = tpu.memref_squeeze %dma_wait3A_399 : memref<1x64x128xf32, #tpu.memory_space<hbm>> -> memref<64x128xf32, #tpu.memory_space<hbm>>
          %dma_wait3A_401 = tpu.memref_slice %arg6[%dma_wait3A_392] : memref<8x!tpu.dma_semaphore, #tpu.memory_space<semaphore_mem>> -> memref<1x!tpu.dma_semaphore, #tpu.memory_space<semaphore_mem>>
          %dma_wait3A_402 = tpu.memref_squeeze %dma_wait3A_401 : memref<1x!tpu.dma_semaphore, #tpu.memory_space<semaphore_mem>> -> memref<!tpu.dma_semaphore, #tpu.memory_space<semaphore_mem>>
          %dma_wait3A_403 = arith.constant 0 : i32
          %dma_wait3A_404 = arith.constant 0 : i32
          %dma_wait3A_405 = tpu.memref_slice %arg3[%add3A_391, %dma_wait3A_403, %dma_wait3A_404] : memref<7813x64x128xf32, #tpu.memory_space<hbm>> -> memref<1x64x128xf32, #tpu.memory_space<hbm>>
          %dma_wait3A_406 = tpu.memref_squeeze %dma_wait3A_405 : memref<1x64x128xf32, #tpu.memory_space<hbm>> -> memref<64x128xf32, #tpu.memory_space<hbm>>
          %dma_wait3A_407 = arith.constant 0 : i32
          %dma_wait3A_408 = arith.constant 0 : i32
          %dma_wait3A_409 = tpu.memref_slice %arg4[%dma_wait3A, %dma_wait3A_407, %dma_wait3A_408] : memref<8x64x128xf32, #tpu.memory_space<vmem>> -> memref<1x64x128xf32, #tpu.memory_space<vmem>>
          %dma_wait3A_410 = tpu.memref_squeeze %dma_wait3A_409 : memref<1x64x128xf32, #tpu.memory_space<vmem>> -> memref<64x128xf32, #tpu.memory_space<vmem>>
          tpu.wait_dma2 semaphore(%dma_wait3A_402 : memref<!tpu.dma_semaphore, #tpu.memory_space<semaphore_mem>>) src(%dma_wait3A_410 : memref<64x128xf32, #tpu.memory_space<vmem>>) dst(%dma_wait3A_406 : memref<64x128xf32, #tpu.memory_space<hbm>>)
        } else {
        }
        %add3A_363 = arith.constant 8 : i32
        %add3A_364 = arith.addi %add3A_290, %add3A_363 : i32
        %sub3A_365 = arith.constant 1 : i32
        %sub3A_366 = arith.subi %add3A_364, %sub3A_365 : i32
        %mul3A_367 = arith.constant 32 : i32
        %mul3A_368 = arith.muli %sub3A_366, %mul3A_367 : i32
        %add3A_369 = arith.addi %add3A, %mul3A_368 : i32
        %mul3A_370 = arith.constant 128 : i32
        %mul3A_371 = arith.muli %add3A_369, %mul3A_370 : i32
        %dma_start3A = arith.constant 4 : i32
        %dma_start3A_372 = arith.constant 4 : i32
        %dma_start3A_373 = arith.constant 0 : i32
        %dma_start3A_374 = arith.constant 0 : i32
        %dma_start3A_375 = tpu.memref_slice %arg4[%dma_start3A, %dma_start3A_373, %dma_start3A_374] : memref<8x64x128xf32, #tpu.memory_space<vmem>> -> memref<1x64x128xf32, #tpu.memory_space<vmem>>
        %dma_start3A_376 = tpu.memref_squeeze %dma_start3A_375 : memref<1x64x128xf32, #tpu.memory_space<vmem>> -> memref<64x128xf32, #tpu.memory_space<vmem>>
        %dma_start3A_377 = arith.constant 0 : i32
        %dma_start3A_378 = tpu.memref_slice %arg2[%dma_start3A_377, %mul3A_371] : memref<64x1000000xf32, #tpu.memory_space<hbm>> -> memref<64x128xf32, #tpu.memory_space<hbm>>
        %dma_start3A_379 = tpu.memref_slice %arg5[%dma_start3A_372] : memref<8x!tpu.dma_semaphore, #tpu.memory_space<semaphore_mem>> -> memref<1x!tpu.dma_semaphore, #tpu.memory_space<semaphore_mem>>
        %dma_start3A_380 = tpu.memref_squeeze %dma_start3A_379 : memref<1x!tpu.dma_semaphore, #tpu.memory_space<semaphore_mem>> -> memref<!tpu.dma_semaphore, #tpu.memory_space<semaphore_mem>>
        %dma_start3A_381 = arith.constant 0 : i32
        %dma_start3A_382 = arith.constant 0 : i32
        %dma_start3A_383 = tpu.memref_slice %arg4[%dma_start3A, %dma_start3A_381, %dma_start3A_382] : memref<8x64x128xf32, #tpu.memory_space<vmem>> -> memref<1x64x128xf32, #tpu.memory_space<vmem>>
        %dma_start3A_384 = tpu.memref_squeeze %dma_start3A_383 : memref<1x64x128xf32, #tpu.memory_space<vmem>> -> memref<64x128xf32, #tpu.memory_space<vmem>>
        %dma_start3A_385 = arith.constant 0 : i32
        %dma_start3A_386 = tpu.memref_slice %arg2[%dma_start3A_385, %mul3A_371] : memref<64x1000000xf32, #tpu.memory_space<hbm>> -> memref<64x128xf32, #tpu.memory_space<hbm>>
        tpu.enqueue_dma source(%dma_start3A_386 : memref<64x128xf32, #tpu.memory_space<hbm>>) target(%dma_start3A_384 : memref<64x128xf32, #tpu.memory_space<vmem>>) target_semaphore(%dma_start3A_380 : memref<!tpu.dma_semaphore, #tpu.memory_space<semaphore_mem>>)
      } else {
      }
      %mul3A_303 = arith.constant 32 : i32
      %mul3A_304 = arith.muli %add3A_290, %mul3A_303 : i32
      %add3A_305 = arith.addi %add3A, %mul3A_304 : i32
      %lt3A_306 = arith.constant 7813 : i32
      %lt3A_307 = arith.cmpi slt, %add3A_305, %lt3A_306 : i32
      %convert_element_type3A_308 = arith.extui %lt3A_307 : i1 to i32
      %cond3A_309 = arith.constant 0 : i32
      %cond3A_310 = arith.cmpi ne, %convert_element_type3A_308, %cond3A_309 : i32
      scf.if %cond3A_310 {
        %mul3A_355 = arith.constant 32 : i32
        %mul3A_356 = arith.muli %add3A_290, %mul3A_355 : i32
        %add3A_357 = arith.addi %add3A, %mul3A_356 : i32
        %mul3A_358 = arith.constant 128 : i32
        %mul3A_359 = arith.muli %add3A_357, %mul3A_358 : i32
        %dma_wait3A = arith.constant 5 : i32
        %dma_wait3A_360 = arith.constant 5 : i32
        %dma_wait3A_361 = arith.constant 0 : i32
        %dma_wait3A_362 = arith.constant 0 : i32
        %dma_wait3A_363 = tpu.memref_slice %arg4[%dma_wait3A, %dma_wait3A_361, %dma_wait3A_362] : memref<8x64x128xf32, #tpu.memory_space<vmem>> -> memref<1x64x128xf32, #tpu.memory_space<vmem>>
        %dma_wait3A_364 = tpu.memref_squeeze %dma_wait3A_363 : memref<1x64x128xf32, #tpu.memory_space<vmem>> -> memref<64x128xf32, #tpu.memory_space<vmem>>
        %dma_wait3A_365 = arith.constant 0 : i32
        %dma_wait3A_366 = tpu.memref_slice %arg2[%dma_wait3A_365, %mul3A_359] : memref<64x1000000xf32, #tpu.memory_space<hbm>> -> memref<64x128xf32, #tpu.memory_space<hbm>>
        %dma_wait3A_367 = tpu.memref_slice %arg5[%dma_wait3A_360] : memref<8x!tpu.dma_semaphore, #tpu.memory_space<semaphore_mem>> -> memref<1x!tpu.dma_semaphore, #tpu.memory_space<semaphore_mem>>
        %dma_wait3A_368 = tpu.memref_squeeze %dma_wait3A_367 : memref<1x!tpu.dma_semaphore, #tpu.memory_space<semaphore_mem>> -> memref<!tpu.dma_semaphore, #tpu.memory_space<semaphore_mem>>
        %dma_wait3A_369 = arith.constant 0 : i32
        %dma_wait3A_370 = arith.constant 0 : i32
        %dma_wait3A_371 = tpu.memref_slice %arg4[%dma_wait3A, %dma_wait3A_369, %dma_wait3A_370] : memref<8x64x128xf32, #tpu.memory_space<vmem>> -> memref<1x64x128xf32, #tpu.memory_space<vmem>>
        %dma_wait3A_372 = tpu.memref_squeeze %dma_wait3A_371 : memref<1x64x128xf32, #tpu.memory_space<vmem>> -> memref<64x128xf32, #tpu.memory_space<vmem>>
        %dma_wait3A_373 = arith.constant 0 : i32
        %dma_wait3A_374 = tpu.memref_slice %arg2[%dma_wait3A_373, %mul3A_359] : memref<64x1000000xf32, #tpu.memory_space<hbm>> -> memref<64x128xf32, #tpu.memory_space<hbm>>
        tpu.wait_dma2 semaphore(%dma_wait3A_368 : memref<!tpu.dma_semaphore, #tpu.memory_space<semaphore_mem>>) src(%dma_wait3A_374 : memref<64x128xf32, #tpu.memory_space<hbm>>) dst(%dma_wait3A_372 : memref<64x128xf32, #tpu.memory_space<vmem>>)
        %mul3A_375 = arith.constant 32 : i32
        %mul3A_376 = arith.muli %add3A_290, %mul3A_375 : i32
        %add3A_377 = arith.addi %add3A, %mul3A_376 : i32
        %dma_start3A = arith.constant 5 : i32
        %dma_start3A_378 = arith.constant 5 : i32
        %dma_start3A_379 = arith.constant 0 : i32
        %dma_start3A_380 = arith.constant 0 : i32
        %dma_start3A_381 = tpu.memref_slice %arg4[%dma_start3A, %dma_start3A_379, %dma_start3A_380] : memref<8x64x128xf32, #tpu.memory_space<vmem>> -> memref<1x64x128xf32, #tpu.memory_space<vmem>>
        %dma_start3A_382 = tpu.memref_squeeze %dma_start3A_381 : memref<1x64x128xf32, #tpu.memory_space<vmem>> -> memref<64x128xf32, #tpu.memory_space<vmem>>
        %dma_start3A_383 = arith.constant 0 : i32
        %dma_start3A_384 = arith.constant 0 : i32
        %dma_start3A_385 = tpu.memref_slice %arg3[%add3A_377, %dma_start3A_383, %dma_start3A_384] : memref<7813x64x128xf32, #tpu.memory_space<hbm>> -> memref<1x64x128xf32, #tpu.memory_space<hbm>>
        %dma_start3A_386 = tpu.memref_squeeze %dma_start3A_385 : memref<1x64x128xf32, #tpu.memory_space<hbm>> -> memref<64x128xf32, #tpu.memory_space<hbm>>
        %dma_start3A_387 = tpu.memref_slice %arg6[%dma_start3A_378] : memref<8x!tpu.dma_semaphore, #tpu.memory_space<semaphore_mem>> -> memref<1x!tpu.dma_semaphore, #tpu.memory_space<semaphore_mem>>
        %dma_start3A_388 = tpu.memref_squeeze %dma_start3A_387 : memref<1x!tpu.dma_semaphore, #tpu.memory_space<semaphore_mem>> -> memref<!tpu.dma_semaphore, #tpu.memory_space<semaphore_mem>>
        %dma_start3A_389 = arith.constant 0 : i32
        %dma_start3A_390 = arith.constant 0 : i32
        %dma_start3A_391 = tpu.memref_slice %arg3[%add3A_377, %dma_start3A_389, %dma_start3A_390] : memref<7813x64x128xf32, #tpu.memory_space<hbm>> -> memref<1x64x128xf32, #tpu.memory_space<hbm>>
        %dma_start3A_392 = tpu.memref_squeeze %dma_start3A_391 : memref<1x64x128xf32, #tpu.memory_space<hbm>> -> memref<64x128xf32, #tpu.memory_space<hbm>>
        %dma_start3A_393 = arith.constant 0 : i32
        %dma_start3A_394 = arith.constant 0 : i32
        %dma_start3A_395 = tpu.memref_slice %arg4[%dma_start3A, %dma_start3A_393, %dma_start3A_394] : memref<8x64x128xf32, #tpu.memory_space<vmem>> -> memref<1x64x128xf32, #tpu.memory_space<vmem>>
        %dma_start3A_396 = tpu.memref_squeeze %dma_start3A_395 : memref<1x64x128xf32, #tpu.memory_space<vmem>> -> memref<64x128xf32, #tpu.memory_space<vmem>>
        tpu.enqueue_dma source(%dma_start3A_396 : memref<64x128xf32, #tpu.memory_space<vmem>>) target(%dma_start3A_392 : memref<64x128xf32, #tpu.memory_space<hbm>>) target_semaphore(%dma_start3A_388 : memref<!tpu.dma_semaphore, #tpu.memory_space<semaphore_mem>>)
      } else {
      }
      %add3A_311 = arith.constant 6 : i32
      %add3A_312 = arith.addi %add3A_179, %add3A_311 : i32
      %add3A_313 = arith.constant 8 : i32
      %add3A_314 = arith.addi %add3A_312, %add3A_313 : i32
      %sub3A_315 = arith.constant 1 : i32
      %sub3A_316 = arith.subi %add3A_314, %sub3A_315 : i32
      %mul3A_317 = arith.constant 32 : i32
      %mul3A_318 = arith.muli %sub3A_316, %mul3A_317 : i32
      %add3A_319 = arith.addi %add3A, %mul3A_318 : i32
      %lt3A_320 = arith.constant 7813 : i32
      %lt3A_321 = arith.cmpi slt, %add3A_319, %lt3A_320 : i32
      %convert_element_type3A_322 = arith.extui %lt3A_321 : i1 to i32
      %cond3A_323 = arith.constant 0 : i32
      %cond3A_324 = arith.cmpi ne, %convert_element_type3A_322, %cond3A_323 : i32
      scf.if %cond3A_324 {
        %add3A_355 = arith.constant 8 : i32
        %add3A_356 = arith.addi %add3A_312, %add3A_355 : i32
        %sub3A_357 = arith.constant 1 : i32
        %sub3A_358 = arith.subi %add3A_356, %sub3A_357 : i32
        %ge3A = arith.constant 8 : i32
        %ge3A_359 = arith.cmpi sge, %sub3A_358, %ge3A : i32
        %convert_element_type3A_360 = arith.extui %ge3A_359 : i1 to i32
        %cond3A_361 = arith.constant 0 : i32
        %cond3A_362 = arith.cmpi ne, %convert_element_type3A_360, %cond3A_361 : i32
        scf.if %cond3A_362 {
          %sub3A_387 = arith.constant 1 : i32
          %sub3A_388 = arith.subi %add3A_312, %sub3A_387 : i32
          %mul3A_389 = arith.constant 32 : i32
          %mul3A_390 = arith.muli %sub3A_388, %mul3A_389 : i32
          %add3A_391 = arith.addi %add3A, %mul3A_390 : i32
          %dma_wait3A = arith.constant 5 : i32
          %dma_wait3A_392 = arith.constant 5 : i32
          %dma_wait3A_393 = arith.constant 0 : i32
          %dma_wait3A_394 = arith.constant 0 : i32
          %dma_wait3A_395 = tpu.memref_slice %arg4[%dma_wait3A, %dma_wait3A_393, %dma_wait3A_394] : memref<8x64x128xf32, #tpu.memory_space<vmem>> -> memref<1x64x128xf32, #tpu.memory_space<vmem>>
          %dma_wait3A_396 = tpu.memref_squeeze %dma_wait3A_395 : memref<1x64x128xf32, #tpu.memory_space<vmem>> -> memref<64x128xf32, #tpu.memory_space<vmem>>
          %dma_wait3A_397 = arith.constant 0 : i32
          %dma_wait3A_398 = arith.constant 0 : i32
          %dma_wait3A_399 = tpu.memref_slice %arg3[%add3A_391, %dma_wait3A_397, %dma_wait3A_398] : memref<7813x64x128xf32, #tpu.memory_space<hbm>> -> memref<1x64x128xf32, #tpu.memory_space<hbm>>
          %dma_wait3A_400 = tpu.memref_squeeze %dma_wait3A_399 : memref<1x64x128xf32, #tpu.memory_space<hbm>> -> memref<64x128xf32, #tpu.memory_space<hbm>>
          %dma_wait3A_401 = tpu.memref_slice %arg6[%dma_wait3A_392] : memref<8x!tpu.dma_semaphore, #tpu.memory_space<semaphore_mem>> -> memref<1x!tpu.dma_semaphore, #tpu.memory_space<semaphore_mem>>
          %dma_wait3A_402 = tpu.memref_squeeze %dma_wait3A_401 : memref<1x!tpu.dma_semaphore, #tpu.memory_space<semaphore_mem>> -> memref<!tpu.dma_semaphore, #tpu.memory_space<semaphore_mem>>
          %dma_wait3A_403 = arith.constant 0 : i32
          %dma_wait3A_404 = arith.constant 0 : i32
          %dma_wait3A_405 = tpu.memref_slice %arg3[%add3A_391, %dma_wait3A_403, %dma_wait3A_404] : memref<7813x64x128xf32, #tpu.memory_space<hbm>> -> memref<1x64x128xf32, #tpu.memory_space<hbm>>
          %dma_wait3A_406 = tpu.memref_squeeze %dma_wait3A_405 : memref<1x64x128xf32, #tpu.memory_space<hbm>> -> memref<64x128xf32, #tpu.memory_space<hbm>>
          %dma_wait3A_407 = arith.constant 0 : i32
          %dma_wait3A_408 = arith.constant 0 : i32
          %dma_wait3A_409 = tpu.memref_slice %arg4[%dma_wait3A, %dma_wait3A_407, %dma_wait3A_408] : memref<8x64x128xf32, #tpu.memory_space<vmem>> -> memref<1x64x128xf32, #tpu.memory_space<vmem>>
          %dma_wait3A_410 = tpu.memref_squeeze %dma_wait3A_409 : memref<1x64x128xf32, #tpu.memory_space<vmem>> -> memref<64x128xf32, #tpu.memory_space<vmem>>
          tpu.wait_dma2 semaphore(%dma_wait3A_402 : memref<!tpu.dma_semaphore, #tpu.memory_space<semaphore_mem>>) src(%dma_wait3A_410 : memref<64x128xf32, #tpu.memory_space<vmem>>) dst(%dma_wait3A_406 : memref<64x128xf32, #tpu.memory_space<hbm>>)
        } else {
        }
        %add3A_363 = arith.constant 8 : i32
        %add3A_364 = arith.addi %add3A_312, %add3A_363 : i32
        %sub3A_365 = arith.constant 1 : i32
        %sub3A_366 = arith.subi %add3A_364, %sub3A_365 : i32
        %mul3A_367 = arith.constant 32 : i32
        %mul3A_368 = arith.muli %sub3A_366, %mul3A_367 : i32
        %add3A_369 = arith.addi %add3A, %mul3A_368 : i32
        %mul3A_370 = arith.constant 128 : i32
        %mul3A_371 = arith.muli %add3A_369, %mul3A_370 : i32
        %dma_start3A = arith.constant 5 : i32
        %dma_start3A_372 = arith.constant 5 : i32
        %dma_start3A_373 = arith.constant 0 : i32
        %dma_start3A_374 = arith.constant 0 : i32
        %dma_start3A_375 = tpu.memref_slice %arg4[%dma_start3A, %dma_start3A_373, %dma_start3A_374] : memref<8x64x128xf32, #tpu.memory_space<vmem>> -> memref<1x64x128xf32, #tpu.memory_space<vmem>>
        %dma_start3A_376 = tpu.memref_squeeze %dma_start3A_375 : memref<1x64x128xf32, #tpu.memory_space<vmem>> -> memref<64x128xf32, #tpu.memory_space<vmem>>
        %dma_start3A_377 = arith.constant 0 : i32
        %dma_start3A_378 = tpu.memref_slice %arg2[%dma_start3A_377, %mul3A_371] : memref<64x1000000xf32, #tpu.memory_space<hbm>> -> memref<64x128xf32, #tpu.memory_space<hbm>>
        %dma_start3A_379 = tpu.memref_slice %arg5[%dma_start3A_372] : memref<8x!tpu.dma_semaphore, #tpu.memory_space<semaphore_mem>> -> memref<1x!tpu.dma_semaphore, #tpu.memory_space<semaphore_mem>>
        %dma_start3A_380 = tpu.memref_squeeze %dma_start3A_379 : memref<1x!tpu.dma_semaphore, #tpu.memory_space<semaphore_mem>> -> memref<!tpu.dma_semaphore, #tpu.memory_space<semaphore_mem>>
        %dma_start3A_381 = arith.constant 0 : i32
        %dma_start3A_382 = arith.constant 0 : i32
        %dma_start3A_383 = tpu.memref_slice %arg4[%dma_start3A, %dma_start3A_381, %dma_start3A_382] : memref<8x64x128xf32, #tpu.memory_space<vmem>> -> memref<1x64x128xf32, #tpu.memory_space<vmem>>
        %dma_start3A_384 = tpu.memref_squeeze %dma_start3A_383 : memref<1x64x128xf32, #tpu.memory_space<vmem>> -> memref<64x128xf32, #tpu.memory_space<vmem>>
        %dma_start3A_385 = arith.constant 0 : i32
        %dma_start3A_386 = tpu.memref_slice %arg2[%dma_start3A_385, %mul3A_371] : memref<64x1000000xf32, #tpu.memory_space<hbm>> -> memref<64x128xf32, #tpu.memory_space<hbm>>
        tpu.enqueue_dma source(%dma_start3A_386 : memref<64x128xf32, #tpu.memory_space<hbm>>) target(%dma_start3A_384 : memref<64x128xf32, #tpu.memory_space<vmem>>) target_semaphore(%dma_start3A_380 : memref<!tpu.dma_semaphore, #tpu.memory_space<semaphore_mem>>)
      } else {
      }
      %mul3A_325 = arith.constant 32 : i32
      %mul3A_326 = arith.muli %add3A_312, %mul3A_325 : i32
      %add3A_327 = arith.addi %add3A, %mul3A_326 : i32
      %lt3A_328 = arith.constant 7813 : i32
      %lt3A_329 = arith.cmpi slt, %add3A_327, %lt3A_328 : i32
      %convert_element_type3A_330 = arith.extui %lt3A_329 : i1 to i32
      %cond3A_331 = arith.constant 0 : i32
      %cond3A_332 = arith.cmpi ne, %convert_element_type3A_330, %cond3A_331 : i32
      scf.if %cond3A_332 {
        %mul3A_355 = arith.constant 32 : i32
        %mul3A_356 = arith.muli %add3A_312, %mul3A_355 : i32
        %add3A_357 = arith.addi %add3A, %mul3A_356 : i32
        %mul3A_358 = arith.constant 128 : i32
        %mul3A_359 = arith.muli %add3A_357, %mul3A_358 : i32
        %dma_wait3A = arith.constant 6 : i32
        %dma_wait3A_360 = arith.constant 6 : i32
        %dma_wait3A_361 = arith.constant 0 : i32
        %dma_wait3A_362 = arith.constant 0 : i32
        %dma_wait3A_363 = tpu.memref_slice %arg4[%dma_wait3A, %dma_wait3A_361, %dma_wait3A_362] : memref<8x64x128xf32, #tpu.memory_space<vmem>> -> memref<1x64x128xf32, #tpu.memory_space<vmem>>
        %dma_wait3A_364 = tpu.memref_squeeze %dma_wait3A_363 : memref<1x64x128xf32, #tpu.memory_space<vmem>> -> memref<64x128xf32, #tpu.memory_space<vmem>>
        %dma_wait3A_365 = arith.constant 0 : i32
        %dma_wait3A_366 = tpu.memref_slice %arg2[%dma_wait3A_365, %mul3A_359] : memref<64x1000000xf32, #tpu.memory_space<hbm>> -> memref<64x128xf32, #tpu.memory_space<hbm>>
        %dma_wait3A_367 = tpu.memref_slice %arg5[%dma_wait3A_360] : memref<8x!tpu.dma_semaphore, #tpu.memory_space<semaphore_mem>> -> memref<1x!tpu.dma_semaphore, #tpu.memory_space<semaphore_mem>>
        %dma_wait3A_368 = tpu.memref_squeeze %dma_wait3A_367 : memref<1x!tpu.dma_semaphore, #tpu.memory_space<semaphore_mem>> -> memref<!tpu.dma_semaphore, #tpu.memory_space<semaphore_mem>>
        %dma_wait3A_369 = arith.constant 0 : i32
        %dma_wait3A_370 = arith.constant 0 : i32
        %dma_wait3A_371 = tpu.memref_slice %arg4[%dma_wait3A, %dma_wait3A_369, %dma_wait3A_370] : memref<8x64x128xf32, #tpu.memory_space<vmem>> -> memref<1x64x128xf32, #tpu.memory_space<vmem>>
        %dma_wait3A_372 = tpu.memref_squeeze %dma_wait3A_371 : memref<1x64x128xf32, #tpu.memory_space<vmem>> -> memref<64x128xf32, #tpu.memory_space<vmem>>
        %dma_wait3A_373 = arith.constant 0 : i32
        %dma_wait3A_374 = tpu.memref_slice %arg2[%dma_wait3A_373, %mul3A_359] : memref<64x1000000xf32, #tpu.memory_space<hbm>> -> memref<64x128xf32, #tpu.memory_space<hbm>>
        tpu.wait_dma2 semaphore(%dma_wait3A_368 : memref<!tpu.dma_semaphore, #tpu.memory_space<semaphore_mem>>) src(%dma_wait3A_374 : memref<64x128xf32, #tpu.memory_space<hbm>>) dst(%dma_wait3A_372 : memref<64x128xf32, #tpu.memory_space<vmem>>)
        %mul3A_375 = arith.constant 32 : i32
        %mul3A_376 = arith.muli %add3A_312, %mul3A_375 : i32
        %add3A_377 = arith.addi %add3A, %mul3A_376 : i32
        %dma_start3A = arith.constant 6 : i32
        %dma_start3A_378 = arith.constant 6 : i32
        %dma_start3A_379 = arith.constant 0 : i32
        %dma_start3A_380 = arith.constant 0 : i32
        %dma_start3A_381 = tpu.memref_slice %arg4[%dma_start3A, %dma_start3A_379, %dma_start3A_380] : memref<8x64x128xf32, #tpu.memory_space<vmem>> -> memref<1x64x128xf32, #tpu.memory_space<vmem>>
        %dma_start3A_382 = tpu.memref_squeeze %dma_start3A_381 : memref<1x64x128xf32, #tpu.memory_space<vmem>> -> memref<64x128xf32, #tpu.memory_space<vmem>>
        %dma_start3A_383 = arith.constant 0 : i32
        %dma_start3A_384 = arith.constant 0 : i32
        %dma_start3A_385 = tpu.memref_slice %arg3[%add3A_377, %dma_start3A_383, %dma_start3A_384] : memref<7813x64x128xf32, #tpu.memory_space<hbm>> -> memref<1x64x128xf32, #tpu.memory_space<hbm>>
        %dma_start3A_386 = tpu.memref_squeeze %dma_start3A_385 : memref<1x64x128xf32, #tpu.memory_space<hbm>> -> memref<64x128xf32, #tpu.memory_space<hbm>>
        %dma_start3A_387 = tpu.memref_slice %arg6[%dma_start3A_378] : memref<8x!tpu.dma_semaphore, #tpu.memory_space<semaphore_mem>> -> memref<1x!tpu.dma_semaphore, #tpu.memory_space<semaphore_mem>>
        %dma_start3A_388 = tpu.memref_squeeze %dma_start3A_387 : memref<1x!tpu.dma_semaphore, #tpu.memory_space<semaphore_mem>> -> memref<!tpu.dma_semaphore, #tpu.memory_space<semaphore_mem>>
        %dma_start3A_389 = arith.constant 0 : i32
        %dma_start3A_390 = arith.constant 0 : i32
        %dma_start3A_391 = tpu.memref_slice %arg3[%add3A_377, %dma_start3A_389, %dma_start3A_390] : memref<7813x64x128xf32, #tpu.memory_space<hbm>> -> memref<1x64x128xf32, #tpu.memory_space<hbm>>
        %dma_start3A_392 = tpu.memref_squeeze %dma_start3A_391 : memref<1x64x128xf32, #tpu.memory_space<hbm>> -> memref<64x128xf32, #tpu.memory_space<hbm>>
        %dma_start3A_393 = arith.constant 0 : i32
        %dma_start3A_394 = arith.constant 0 : i32
        %dma_start3A_395 = tpu.memref_slice %arg4[%dma_start3A, %dma_start3A_393, %dma_start3A_394] : memref<8x64x128xf32, #tpu.memory_space<vmem>> -> memref<1x64x128xf32, #tpu.memory_space<vmem>>
        %dma_start3A_396 = tpu.memref_squeeze %dma_start3A_395 : memref<1x64x128xf32, #tpu.memory_space<vmem>> -> memref<64x128xf32, #tpu.memory_space<vmem>>
        tpu.enqueue_dma source(%dma_start3A_396 : memref<64x128xf32, #tpu.memory_space<vmem>>) target(%dma_start3A_392 : memref<64x128xf32, #tpu.memory_space<hbm>>) target_semaphore(%dma_start3A_388 : memref<!tpu.dma_semaphore, #tpu.memory_space<semaphore_mem>>)
      } else {
      }
      %add3A_333 = arith.constant 7 : i32
      %add3A_334 = arith.addi %add3A_179, %add3A_333 : i32
      %add3A_335 = arith.constant 8 : i32
      %add3A_336 = arith.addi %add3A_334, %add3A_335 : i32
      %sub3A_337 = arith.constant 1 : i32
      %sub3A_338 = arith.subi %add3A_336, %sub3A_337 : i32
      %mul3A_339 = arith.constant 32 : i32
      %mul3A_340 = arith.muli %sub3A_338, %mul3A_339 : i32
      %add3A_341 = arith.addi %add3A, %mul3A_340 : i32
      %lt3A_342 = arith.constant 7813 : i32
      %lt3A_343 = arith.cmpi slt, %add3A_341, %lt3A_342 : i32
      %convert_element_type3A_344 = arith.extui %lt3A_343 : i1 to i32
      %cond3A_345 = arith.constant 0 : i32
      %cond3A_346 = arith.cmpi ne, %convert_element_type3A_344, %cond3A_345 : i32
      scf.if %cond3A_346 {
        %add3A_355 = arith.constant 8 : i32
        %add3A_356 = arith.addi %add3A_334, %add3A_355 : i32
        %sub3A_357 = arith.constant 1 : i32
        %sub3A_358 = arith.subi %add3A_356, %sub3A_357 : i32
        %ge3A = arith.constant 8 : i32
        %ge3A_359 = arith.cmpi sge, %sub3A_358, %ge3A : i32
        %convert_element_type3A_360 = arith.extui %ge3A_359 : i1 to i32
        %cond3A_361 = arith.constant 0 : i32
        %cond3A_362 = arith.cmpi ne, %convert_element_type3A_360, %cond3A_361 : i32
        scf.if %cond3A_362 {
          %sub3A_387 = arith.constant 1 : i32
          %sub3A_388 = arith.subi %add3A_334, %sub3A_387 : i32
          %mul3A_389 = arith.constant 32 : i32
          %mul3A_390 = arith.muli %sub3A_388, %mul3A_389 : i32
          %add3A_391 = arith.addi %add3A, %mul3A_390 : i32
          %dma_wait3A = arith.constant 6 : i32
          %dma_wait3A_392 = arith.constant 6 : i32
          %dma_wait3A_393 = arith.constant 0 : i32
          %dma_wait3A_394 = arith.constant 0 : i32
          %dma_wait3A_395 = tpu.memref_slice %arg4[%dma_wait3A, %dma_wait3A_393, %dma_wait3A_394] : memref<8x64x128xf32, #tpu.memory_space<vmem>> -> memref<1x64x128xf32, #tpu.memory_space<vmem>>
          %dma_wait3A_396 = tpu.memref_squeeze %dma_wait3A_395 : memref<1x64x128xf32, #tpu.memory_space<vmem>> -> memref<64x128xf32, #tpu.memory_space<vmem>>
          %dma_wait3A_397 = arith.constant 0 : i32
          %dma_wait3A_398 = arith.constant 0 : i32
          %dma_wait3A_399 = tpu.memref_slice %arg3[%add3A_391, %dma_wait3A_397, %dma_wait3A_398] : memref<7813x64x128xf32, #tpu.memory_space<hbm>> -> memref<1x64x128xf32, #tpu.memory_space<hbm>>
          %dma_wait3A_400 = tpu.memref_squeeze %dma_wait3A_399 : memref<1x64x128xf32, #tpu.memory_space<hbm>> -> memref<64x128xf32, #tpu.memory_space<hbm>>
          %dma_wait3A_401 = tpu.memref_slice %arg6[%dma_wait3A_392] : memref<8x!tpu.dma_semaphore, #tpu.memory_space<semaphore_mem>> -> memref<1x!tpu.dma_semaphore, #tpu.memory_space<semaphore_mem>>
          %dma_wait3A_402 = tpu.memref_squeeze %dma_wait3A_401 : memref<1x!tpu.dma_semaphore, #tpu.memory_space<semaphore_mem>> -> memref<!tpu.dma_semaphore, #tpu.memory_space<semaphore_mem>>
          %dma_wait3A_403 = arith.constant 0 : i32
          %dma_wait3A_404 = arith.constant 0 : i32
          %dma_wait3A_405 = tpu.memref_slice %arg3[%add3A_391, %dma_wait3A_403, %dma_wait3A_404] : memref<7813x64x128xf32, #tpu.memory_space<hbm>> -> memref<1x64x128xf32, #tpu.memory_space<hbm>>
          %dma_wait3A_406 = tpu.memref_squeeze %dma_wait3A_405 : memref<1x64x128xf32, #tpu.memory_space<hbm>> -> memref<64x128xf32, #tpu.memory_space<hbm>>
          %dma_wait3A_407 = arith.constant 0 : i32
          %dma_wait3A_408 = arith.constant 0 : i32
          %dma_wait3A_409 = tpu.memref_slice %arg4[%dma_wait3A, %dma_wait3A_407, %dma_wait3A_408] : memref<8x64x128xf32, #tpu.memory_space<vmem>> -> memref<1x64x128xf32, #tpu.memory_space<vmem>>
          %dma_wait3A_410 = tpu.memref_squeeze %dma_wait3A_409 : memref<1x64x128xf32, #tpu.memory_space<vmem>> -> memref<64x128xf32, #tpu.memory_space<vmem>>
          tpu.wait_dma2 semaphore(%dma_wait3A_402 : memref<!tpu.dma_semaphore, #tpu.memory_space<semaphore_mem>>) src(%dma_wait3A_410 : memref<64x128xf32, #tpu.memory_space<vmem>>) dst(%dma_wait3A_406 : memref<64x128xf32, #tpu.memory_space<hbm>>)
        } else {
        }
        %add3A_363 = arith.constant 8 : i32
        %add3A_364 = arith.addi %add3A_334, %add3A_363 : i32
        %sub3A_365 = arith.constant 1 : i32
        %sub3A_366 = arith.subi %add3A_364, %sub3A_365 : i32
        %mul3A_367 = arith.constant 32 : i32
        %mul3A_368 = arith.muli %sub3A_366, %mul3A_367 : i32
        %add3A_369 = arith.addi %add3A, %mul3A_368 : i32
        %mul3A_370 = arith.constant 128 : i32
        %mul3A_371 = arith.muli %add3A_369, %mul3A_370 : i32
        %dma_start3A = arith.constant 6 : i32
        %dma_start3A_372 = arith.constant 6 : i32
        %dma_start3A_373 = arith.constant 0 : i32
        %dma_start3A_374 = arith.constant 0 : i32
        %dma_start3A_375 = tpu.memref_slice %arg4[%dma_start3A, %dma_start3A_373, %dma_start3A_374] : memref<8x64x128xf32, #tpu.memory_space<vmem>> -> memref<1x64x128xf32, #tpu.memory_space<vmem>>
        %dma_start3A_376 = tpu.memref_squeeze %dma_start3A_375 : memref<1x64x128xf32, #tpu.memory_space<vmem>> -> memref<64x128xf32, #tpu.memory_space<vmem>>
        %dma_start3A_377 = arith.constant 0 : i32
        %dma_start3A_378 = tpu.memref_slice %arg2[%dma_start3A_377, %mul3A_371] : memref<64x1000000xf32, #tpu.memory_space<hbm>> -> memref<64x128xf32, #tpu.memory_space<hbm>>
        %dma_start3A_379 = tpu.memref_slice %arg5[%dma_start3A_372] : memref<8x!tpu.dma_semaphore, #tpu.memory_space<semaphore_mem>> -> memref<1x!tpu.dma_semaphore, #tpu.memory_space<semaphore_mem>>
        %dma_start3A_380 = tpu.memref_squeeze %dma_start3A_379 : memref<1x!tpu.dma_semaphore, #tpu.memory_space<semaphore_mem>> -> memref<!tpu.dma_semaphore, #tpu.memory_space<semaphore_mem>>
        %dma_start3A_381 = arith.constant 0 : i32
        %dma_start3A_382 = arith.constant 0 : i32
        %dma_start3A_383 = tpu.memref_slice %arg4[%dma_start3A, %dma_start3A_381, %dma_start3A_382] : memref<8x64x128xf32, #tpu.memory_space<vmem>> -> memref<1x64x128xf32, #tpu.memory_space<vmem>>
        %dma_start3A_384 = tpu.memref_squeeze %dma_start3A_383 : memref<1x64x128xf32, #tpu.memory_space<vmem>> -> memref<64x128xf32, #tpu.memory_space<vmem>>
        %dma_start3A_385 = arith.constant 0 : i32
        %dma_start3A_386 = tpu.memref_slice %arg2[%dma_start3A_385, %mul3A_371] : memref<64x1000000xf32, #tpu.memory_space<hbm>> -> memref<64x128xf32, #tpu.memory_space<hbm>>
        tpu.enqueue_dma source(%dma_start3A_386 : memref<64x128xf32, #tpu.memory_space<hbm>>) target(%dma_start3A_384 : memref<64x128xf32, #tpu.memory_space<vmem>>) target_semaphore(%dma_start3A_380 : memref<!tpu.dma_semaphore, #tpu.memory_space<semaphore_mem>>)
      } else {
      }
      %mul3A_347 = arith.constant 32 : i32
      %mul3A_348 = arith.muli %add3A_334, %mul3A_347 : i32
      %add3A_349 = arith.addi %add3A, %mul3A_348 : i32
      %lt3A_350 = arith.constant 7813 : i32
      %lt3A_351 = arith.cmpi slt, %add3A_349, %lt3A_350 : i32
      %convert_element_type3A_352 = arith.extui %lt3A_351 : i1 to i32
      %cond3A_353 = arith.constant 0 : i32
      %cond3A_354 = arith.cmpi ne, %convert_element_type3A_352, %cond3A_353 : i32
      scf.if %cond3A_354 {
        %mul3A_355 = arith.constant 32 : i32
        %mul3A_356 = arith.muli %add3A_334, %mul3A_355 : i32
        %add3A_357 = arith.addi %add3A, %mul3A_356 : i32
        %mul3A_358 = arith.constant 128 : i32
        %mul3A_359 = arith.muli %add3A_357, %mul3A_358 : i32
        %dma_wait3A = arith.constant 7 : i32
        %dma_wait3A_360 = arith.constant 7 : i32
        %dma_wait3A_361 = arith.constant 0 : i32
        %dma_wait3A_362 = arith.constant 0 : i32
        %dma_wait3A_363 = tpu.memref_slice %arg4[%dma_wait3A, %dma_wait3A_361, %dma_wait3A_362] : memref<8x64x128xf32, #tpu.memory_space<vmem>> -> memref<1x64x128xf32, #tpu.memory_space<vmem>>
        %dma_wait3A_364 = tpu.memref_squeeze %dma_wait3A_363 : memref<1x64x128xf32, #tpu.memory_space<vmem>> -> memref<64x128xf32, #tpu.memory_space<vmem>>
        %dma_wait3A_365 = arith.constant 0 : i32
        %dma_wait3A_366 = tpu.memref_slice %arg2[%dma_wait3A_365, %mul3A_359] : memref<64x1000000xf32, #tpu.memory_space<hbm>> -> memref<64x128xf32, #tpu.memory_space<hbm>>
        %dma_wait3A_367 = tpu.memref_slice %arg5[%dma_wait3A_360] : memref<8x!tpu.dma_semaphore, #tpu.memory_space<semaphore_mem>> -> memref<1x!tpu.dma_semaphore, #tpu.memory_space<semaphore_mem>>
        %dma_wait3A_368 = tpu.memref_squeeze %dma_wait3A_367 : memref<1x!tpu.dma_semaphore, #tpu.memory_space<semaphore_mem>> -> memref<!tpu.dma_semaphore, #tpu.memory_space<semaphore_mem>>
        %dma_wait3A_369 = arith.constant 0 : i32
        %dma_wait3A_370 = arith.constant 0 : i32
        %dma_wait3A_371 = tpu.memref_slice %arg4[%dma_wait3A, %dma_wait3A_369, %dma_wait3A_370] : memref<8x64x128xf32, #tpu.memory_space<vmem>> -> memref<1x64x128xf32, #tpu.memory_space<vmem>>
        %dma_wait3A_372 = tpu.memref_squeeze %dma_wait3A_371 : memref<1x64x128xf32, #tpu.memory_space<vmem>> -> memref<64x128xf32, #tpu.memory_space<vmem>>
        %dma_wait3A_373 = arith.constant 0 : i32
        %dma_wait3A_374 = tpu.memref_slice %arg2[%dma_wait3A_373, %mul3A_359] : memref<64x1000000xf32, #tpu.memory_space<hbm>> -> memref<64x128xf32, #tpu.memory_space<hbm>>
        tpu.wait_dma2 semaphore(%dma_wait3A_368 : memref<!tpu.dma_semaphore, #tpu.memory_space<semaphore_mem>>) src(%dma_wait3A_374 : memref<64x128xf32, #tpu.memory_space<hbm>>) dst(%dma_wait3A_372 : memref<64x128xf32, #tpu.memory_space<vmem>>)
        %mul3A_375 = arith.constant 32 : i32
        %mul3A_376 = arith.muli %add3A_334, %mul3A_375 : i32
        %add3A_377 = arith.addi %add3A, %mul3A_376 : i32
        %dma_start3A = arith.constant 7 : i32
        %dma_start3A_378 = arith.constant 7 : i32
        %dma_start3A_379 = arith.constant 0 : i32
        %dma_start3A_380 = arith.constant 0 : i32
        %dma_start3A_381 = tpu.memref_slice %arg4[%dma_start3A, %dma_start3A_379, %dma_start3A_380] : memref<8x64x128xf32, #tpu.memory_space<vmem>> -> memref<1x64x128xf32, #tpu.memory_space<vmem>>
        %dma_start3A_382 = tpu.memref_squeeze %dma_start3A_381 : memref<1x64x128xf32, #tpu.memory_space<vmem>> -> memref<64x128xf32, #tpu.memory_space<vmem>>
        %dma_start3A_383 = arith.constant 0 : i32
        %dma_start3A_384 = arith.constant 0 : i32
        %dma_start3A_385 = tpu.memref_slice %arg3[%add3A_377, %dma_start3A_383, %dma_start3A_384] : memref<7813x64x128xf32, #tpu.memory_space<hbm>> -> memref<1x64x128xf32, #tpu.memory_space<hbm>>
        %dma_start3A_386 = tpu.memref_squeeze %dma_start3A_385 : memref<1x64x128xf32, #tpu.memory_space<hbm>> -> memref<64x128xf32, #tpu.memory_space<hbm>>
        %dma_start3A_387 = tpu.memref_slice %arg6[%dma_start3A_378] : memref<8x!tpu.dma_semaphore, #tpu.memory_space<semaphore_mem>> -> memref<1x!tpu.dma_semaphore, #tpu.memory_space<semaphore_mem>>
        %dma_start3A_388 = tpu.memref_squeeze %dma_start3A_387 : memref<1x!tpu.dma_semaphore, #tpu.memory_space<semaphore_mem>> -> memref<!tpu.dma_semaphore, #tpu.memory_space<semaphore_mem>>
        %dma_start3A_389 = arith.constant 0 : i32
        %dma_start3A_390 = arith.constant 0 : i32
        %dma_start3A_391 = tpu.memref_slice %arg3[%add3A_377, %dma_start3A_389, %dma_start3A_390] : memref<7813x64x128xf32, #tpu.memory_space<hbm>> -> memref<1x64x128xf32, #tpu.memory_space<hbm>>
        %dma_start3A_392 = tpu.memref_squeeze %dma_start3A_391 : memref<1x64x128xf32, #tpu.memory_space<hbm>> -> memref<64x128xf32, #tpu.memory_space<hbm>>
        %dma_start3A_393 = arith.constant 0 : i32
        %dma_start3A_394 = arith.constant 0 : i32
        %dma_start3A_395 = tpu.memref_slice %arg4[%dma_start3A, %dma_start3A_393, %dma_start3A_394] : memref<8x64x128xf32, #tpu.memory_space<vmem>> -> memref<1x64x128xf32, #tpu.memory_space<vmem>>
        %dma_start3A_396 = tpu.memref_squeeze %dma_start3A_395 : memref<1x64x128xf32, #tpu.memory_space<vmem>> -> memref<64x128xf32, #tpu.memory_space<vmem>>
        tpu.enqueue_dma source(%dma_start3A_396 : memref<64x128xf32, #tpu.memory_space<vmem>>) target(%dma_start3A_392 : memref<64x128xf32, #tpu.memory_space<hbm>>) target_semaphore(%dma_start3A_388 : memref<!tpu.dma_semaphore, #tpu.memory_space<semaphore_mem>>)
      } else {
      }
    }
    %scan3A_50 = arith.constant 31 : i32
    %add3A_51 = arith.constant 7552 : i32
    %add3A_52 = arith.addi %add3A, %add3A_51 : i32
    %lt3A_53 = arith.constant 7813 : i32
    %lt3A_54 = arith.cmpi slt, %add3A_52, %lt3A_53 : i32
    %add3A_55 = arith.constant 7808 : i32
    %add3A_56 = arith.addi %add3A, %add3A_55 : i32
    %lt3A_57 = arith.constant 7813 : i32
    %lt3A_58 = arith.cmpi slt, %add3A_56, %lt3A_57 : i32
    %not3A = arith.constant true
    %not3A_59 = arith.xori %lt3A_58, %not3A : i1
    %and3A = arith.andi %lt3A_54, %not3A_59 : i1
    %convert_element_type3A_60 = arith.extui %and3A : i1 to i32
    %cond3A_61 = arith.constant 0 : i32
    %cond3A_62 = arith.cmpi ne, %convert_element_type3A_60, %cond3A_61 : i32
    scf.if %cond3A_62 {
      %add3A_175 = arith.constant 7552 : i32
      %add3A_176 = arith.addi %add3A, %add3A_175 : i32
      %dma_wait3A = arith.constant 4 : i32
      %dma_wait3A_177 = arith.constant 4 : i32
      %dma_wait3A_178 = arith.constant 0 : i32
      %dma_wait3A_179 = arith.constant 0 : i32
      %dma_wait3A_180 = tpu.memref_slice %arg4[%dma_wait3A, %dma_wait3A_178, %dma_wait3A_179] : memref<8x64x128xf32, #tpu.memory_space<vmem>> -> memref<1x64x128xf32, #tpu.memory_space<vmem>>
      %dma_wait3A_181 = tpu.memref_squeeze %dma_wait3A_180 : memref<1x64x128xf32, #tpu.memory_space<vmem>> -> memref<64x128xf32, #tpu.memory_space<vmem>>
      %dma_wait3A_182 = arith.constant 0 : i32
      %dma_wait3A_183 = arith.constant 0 : i32
      %dma_wait3A_184 = tpu.memref_slice %arg3[%add3A_176, %dma_wait3A_182, %dma_wait3A_183] : memref<7813x64x128xf32, #tpu.memory_space<hbm>> -> memref<1x64x128xf32, #tpu.memory_space<hbm>>
      %dma_wait3A_185 = tpu.memref_squeeze %dma_wait3A_184 : memref<1x64x128xf32, #tpu.memory_space<hbm>> -> memref<64x128xf32, #tpu.memory_space<hbm>>
      %dma_wait3A_186 = tpu.memref_slice %arg6[%dma_wait3A_177] : memref<8x!tpu.dma_semaphore, #tpu.memory_space<semaphore_mem>> -> memref<1x!tpu.dma_semaphore, #tpu.memory_space<semaphore_mem>>
      %dma_wait3A_187 = tpu.memref_squeeze %dma_wait3A_186 : memref<1x!tpu.dma_semaphore, #tpu.memory_space<semaphore_mem>> -> memref<!tpu.dma_semaphore, #tpu.memory_space<semaphore_mem>>
      %dma_wait3A_188 = arith.constant 0 : i32
      %dma_wait3A_189 = arith.constant 0 : i32
      %dma_wait3A_190 = tpu.memref_slice %arg3[%add3A_176, %dma_wait3A_188, %dma_wait3A_189] : memref<7813x64x128xf32, #tpu.memory_space<hbm>> -> memref<1x64x128xf32, #tpu.memory_space<hbm>>
      %dma_wait3A_191 = tpu.memref_squeeze %dma_wait3A_190 : memref<1x64x128xf32, #tpu.memory_space<hbm>> -> memref<64x128xf32, #tpu.memory_space<hbm>>
      %dma_wait3A_192 = arith.constant 0 : i32
      %dma_wait3A_193 = arith.constant 0 : i32
      %dma_wait3A_194 = tpu.memref_slice %arg4[%dma_wait3A, %dma_wait3A_192, %dma_wait3A_193] : memref<8x64x128xf32, #tpu.memory_space<vmem>> -> memref<1x64x128xf32, #tpu.memory_space<vmem>>
      %dma_wait3A_195 = tpu.memref_squeeze %dma_wait3A_194 : memref<1x64x128xf32, #tpu.memory_space<vmem>> -> memref<64x128xf32, #tpu.memory_space<vmem>>
      tpu.wait_dma2 semaphore(%dma_wait3A_187 : memref<!tpu.dma_semaphore, #tpu.memory_space<semaphore_mem>>) src(%dma_wait3A_195 : memref<64x128xf32, #tpu.memory_space<vmem>>) dst(%dma_wait3A_191 : memref<64x128xf32, #tpu.memory_space<hbm>>)
    } else {
    }
    %add3A_63 = arith.constant 7584 : i32
    %add3A_64 = arith.addi %add3A, %add3A_63 : i32
    %lt3A_65 = arith.constant 7813 : i32
    %lt3A_66 = arith.cmpi slt, %add3A_64, %lt3A_65 : i32
    %add3A_67 = arith.constant 7840 : i32
    %add3A_68 = arith.addi %add3A, %add3A_67 : i32
    %lt3A_69 = arith.constant 7813 : i32
    %lt3A_70 = arith.cmpi slt, %add3A_68, %lt3A_69 : i32
    %not3A_71 = arith.constant true
    %not3A_72 = arith.xori %lt3A_70, %not3A_71 : i1
    %and3A_73 = arith.andi %lt3A_66, %not3A_72 : i1
    %convert_element_type3A_74 = arith.extui %and3A_73 : i1 to i32
    %cond3A_75 = arith.constant 0 : i32
    %cond3A_76 = arith.cmpi ne, %convert_element_type3A_74, %cond3A_75 : i32
    scf.if %cond3A_76 {
      %add3A_175 = arith.constant 7584 : i32
      %add3A_176 = arith.addi %add3A, %add3A_175 : i32
      %dma_wait3A = arith.constant 5 : i32
      %dma_wait3A_177 = arith.constant 5 : i32
      %dma_wait3A_178 = arith.constant 0 : i32
      %dma_wait3A_179 = arith.constant 0 : i32
      %dma_wait3A_180 = tpu.memref_slice %arg4[%dma_wait3A, %dma_wait3A_178, %dma_wait3A_179] : memref<8x64x128xf32, #tpu.memory_space<vmem>> -> memref<1x64x128xf32, #tpu.memory_space<vmem>>
      %dma_wait3A_181 = tpu.memref_squeeze %dma_wait3A_180 : memref<1x64x128xf32, #tpu.memory_space<vmem>> -> memref<64x128xf32, #tpu.memory_space<vmem>>
      %dma_wait3A_182 = arith.constant 0 : i32
      %dma_wait3A_183 = arith.constant 0 : i32
      %dma_wait3A_184 = tpu.memref_slice %arg3[%add3A_176, %dma_wait3A_182, %dma_wait3A_183] : memref<7813x64x128xf32, #tpu.memory_space<hbm>> -> memref<1x64x128xf32, #tpu.memory_space<hbm>>
      %dma_wait3A_185 = tpu.memref_squeeze %dma_wait3A_184 : memref<1x64x128xf32, #tpu.memory_space<hbm>> -> memref<64x128xf32, #tpu.memory_space<hbm>>
      %dma_wait3A_186 = tpu.memref_slice %arg6[%dma_wait3A_177] : memref<8x!tpu.dma_semaphore, #tpu.memory_space<semaphore_mem>> -> memref<1x!tpu.dma_semaphore, #tpu.memory_space<semaphore_mem>>
      %dma_wait3A_187 = tpu.memref_squeeze %dma_wait3A_186 : memref<1x!tpu.dma_semaphore, #tpu.memory_space<semaphore_mem>> -> memref<!tpu.dma_semaphore, #tpu.memory_space<semaphore_mem>>
      %dma_wait3A_188 = arith.constant 0 : i32
      %dma_wait3A_189 = arith.constant 0 : i32
      %dma_wait3A_190 = tpu.memref_slice %arg3[%add3A_176, %dma_wait3A_188, %dma_wait3A_189] : memref<7813x64x128xf32, #tpu.memory_space<hbm>> -> memref<1x64x128xf32, #tpu.memory_space<hbm>>
      %dma_wait3A_191 = tpu.memref_squeeze %dma_wait3A_190 : memref<1x64x128xf32, #tpu.memory_space<hbm>> -> memref<64x128xf32, #tpu.memory_space<hbm>>
      %dma_wait3A_192 = arith.constant 0 : i32
      %dma_wait3A_193 = arith.constant 0 : i32
      %dma_wait3A_194 = tpu.memref_slice %arg4[%dma_wait3A, %dma_wait3A_192, %dma_wait3A_193] : memref<8x64x128xf32, #tpu.memory_space<vmem>> -> memref<1x64x128xf32, #tpu.memory_space<vmem>>
      %dma_wait3A_195 = tpu.memref_squeeze %dma_wait3A_194 : memref<1x64x128xf32, #tpu.memory_space<vmem>> -> memref<64x128xf32, #tpu.memory_space<vmem>>
      tpu.wait_dma2 semaphore(%dma_wait3A_187 : memref<!tpu.dma_semaphore, #tpu.memory_space<semaphore_mem>>) src(%dma_wait3A_195 : memref<64x128xf32, #tpu.memory_space<vmem>>) dst(%dma_wait3A_191 : memref<64x128xf32, #tpu.memory_space<hbm>>)
    } else {
    }
    %add3A_77 = arith.constant 7616 : i32
    %add3A_78 = arith.addi %add3A, %add3A_77 : i32
    %lt3A_79 = arith.constant 7813 : i32
    %lt3A_80 = arith.cmpi slt, %add3A_78, %lt3A_79 : i32
    %add3A_81 = arith.constant 7872 : i32
    %add3A_82 = arith.addi %add3A, %add3A_81 : i32
    %lt3A_83 = arith.constant 7813 : i32
    %lt3A_84 = arith.cmpi slt, %add3A_82, %lt3A_83 : i32
    %not3A_85 = arith.constant true
    %not3A_86 = arith.xori %lt3A_84, %not3A_85 : i1
    %and3A_87 = arith.andi %lt3A_80, %not3A_86 : i1
    %convert_element_type3A_88 = arith.extui %and3A_87 : i1 to i32
    %cond3A_89 = arith.constant 0 : i32
    %cond3A_90 = arith.cmpi ne, %convert_element_type3A_88, %cond3A_89 : i32
    scf.if %cond3A_90 {
      %add3A_175 = arith.constant 7616 : i32
      %add3A_176 = arith.addi %add3A, %add3A_175 : i32
      %dma_wait3A = arith.constant 6 : i32
      %dma_wait3A_177 = arith.constant 6 : i32
      %dma_wait3A_178 = arith.constant 0 : i32
      %dma_wait3A_179 = arith.constant 0 : i32
      %dma_wait3A_180 = tpu.memref_slice %arg4[%dma_wait3A, %dma_wait3A_178, %dma_wait3A_179] : memref<8x64x128xf32, #tpu.memory_space<vmem>> -> memref<1x64x128xf32, #tpu.memory_space<vmem>>
      %dma_wait3A_181 = tpu.memref_squeeze %dma_wait3A_180 : memref<1x64x128xf32, #tpu.memory_space<vmem>> -> memref<64x128xf32, #tpu.memory_space<vmem>>
      %dma_wait3A_182 = arith.constant 0 : i32
      %dma_wait3A_183 = arith.constant 0 : i32
      %dma_wait3A_184 = tpu.memref_slice %arg3[%add3A_176, %dma_wait3A_182, %dma_wait3A_183] : memref<7813x64x128xf32, #tpu.memory_space<hbm>> -> memref<1x64x128xf32, #tpu.memory_space<hbm>>
      %dma_wait3A_185 = tpu.memref_squeeze %dma_wait3A_184 : memref<1x64x128xf32, #tpu.memory_space<hbm>> -> memref<64x128xf32, #tpu.memory_space<hbm>>
      %dma_wait3A_186 = tpu.memref_slice %arg6[%dma_wait3A_177] : memref<8x!tpu.dma_semaphore, #tpu.memory_space<semaphore_mem>> -> memref<1x!tpu.dma_semaphore, #tpu.memory_space<semaphore_mem>>
      %dma_wait3A_187 = tpu.memref_squeeze %dma_wait3A_186 : memref<1x!tpu.dma_semaphore, #tpu.memory_space<semaphore_mem>> -> memref<!tpu.dma_semaphore, #tpu.memory_space<semaphore_mem>>
      %dma_wait3A_188 = arith.constant 0 : i32
      %dma_wait3A_189 = arith.constant 0 : i32
      %dma_wait3A_190 = tpu.memref_slice %arg3[%add3A_176, %dma_wait3A_188, %dma_wait3A_189] : memref<7813x64x128xf32, #tpu.memory_space<hbm>> -> memref<1x64x128xf32, #tpu.memory_space<hbm>>
      %dma_wait3A_191 = tpu.memref_squeeze %dma_wait3A_190 : memref<1x64x128xf32, #tpu.memory_space<hbm>> -> memref<64x128xf32, #tpu.memory_space<hbm>>
      %dma_wait3A_192 = arith.constant 0 : i32
      %dma_wait3A_193 = arith.constant 0 : i32
      %dma_wait3A_194 = tpu.memref_slice %arg4[%dma_wait3A, %dma_wait3A_192, %dma_wait3A_193] : memref<8x64x128xf32, #tpu.memory_space<vmem>> -> memref<1x64x128xf32, #tpu.memory_space<vmem>>
      %dma_wait3A_195 = tpu.memref_squeeze %dma_wait3A_194 : memref<1x64x128xf32, #tpu.memory_space<vmem>> -> memref<64x128xf32, #tpu.memory_space<vmem>>
      tpu.wait_dma2 semaphore(%dma_wait3A_187 : memref<!tpu.dma_semaphore, #tpu.memory_space<semaphore_mem>>) src(%dma_wait3A_195 : memref<64x128xf32, #tpu.memory_space<vmem>>) dst(%dma_wait3A_191 : memref<64x128xf32, #tpu.memory_space<hbm>>)
    } else {
    }
    %add3A_91 = arith.constant 7648 : i32
    %add3A_92 = arith.addi %add3A, %add3A_91 : i32
    %lt3A_93 = arith.constant 7813 : i32
    %lt3A_94 = arith.cmpi slt, %add3A_92, %lt3A_93 : i32
    %add3A_95 = arith.constant 7904 : i32
    %add3A_96 = arith.addi %add3A, %add3A_95 : i32
    %lt3A_97 = arith.constant 7813 : i32
    %lt3A_98 = arith.cmpi slt, %add3A_96, %lt3A_97 : i32
    %not3A_99 = arith.constant true
    %not3A_100 = arith.xori %lt3A_98, %not3A_99 : i1
    %and3A_101 = arith.andi %lt3A_94, %not3A_100 : i1
    %convert_element_type3A_102 = arith.extui %and3A_101 : i1 to i32
    %cond3A_103 = arith.constant 0 : i32
    %cond3A_104 = arith.cmpi ne, %convert_element_type3A_102, %cond3A_103 : i32
    scf.if %cond3A_104 {
      %add3A_175 = arith.constant 7648 : i32
      %add3A_176 = arith.addi %add3A, %add3A_175 : i32
      %dma_wait3A = arith.constant 7 : i32
      %dma_wait3A_177 = arith.constant 7 : i32
      %dma_wait3A_178 = arith.constant 0 : i32
      %dma_wait3A_179 = arith.constant 0 : i32
      %dma_wait3A_180 = tpu.memref_slice %arg4[%dma_wait3A, %dma_wait3A_178, %dma_wait3A_179] : memref<8x64x128xf32, #tpu.memory_space<vmem>> -> memref<1x64x128xf32, #tpu.memory_space<vmem>>
      %dma_wait3A_181 = tpu.memref_squeeze %dma_wait3A_180 : memref<1x64x128xf32, #tpu.memory_space<vmem>> -> memref<64x128xf32, #tpu.memory_space<vmem>>
      %dma_wait3A_182 = arith.constant 0 : i32
      %dma_wait3A_183 = arith.constant 0 : i32
      %dma_wait3A_184 = tpu.memref_slice %arg3[%add3A_176, %dma_wait3A_182, %dma_wait3A_183] : memref<7813x64x128xf32, #tpu.memory_space<hbm>> -> memref<1x64x128xf32, #tpu.memory_space<hbm>>
      %dma_wait3A_185 = tpu.memref_squeeze %dma_wait3A_184 : memref<1x64x128xf32, #tpu.memory_space<hbm>> -> memref<64x128xf32, #tpu.memory_space<hbm>>
      %dma_wait3A_186 = tpu.memref_slice %arg6[%dma_wait3A_177] : memref<8x!tpu.dma_semaphore, #tpu.memory_space<semaphore_mem>> -> memref<1x!tpu.dma_semaphore, #tpu.memory_space<semaphore_mem>>
      %dma_wait3A_187 = tpu.memref_squeeze %dma_wait3A_186 : memref<1x!tpu.dma_semaphore, #tpu.memory_space<semaphore_mem>> -> memref<!tpu.dma_semaphore, #tpu.memory_space<semaphore_mem>>
      %dma_wait3A_188 = arith.constant 0 : i32
      %dma_wait3A_189 = arith.constant 0 : i32
      %dma_wait3A_190 = tpu.memref_slice %arg3[%add3A_176, %dma_wait3A_188, %dma_wait3A_189] : memref<7813x64x128xf32, #tpu.memory_space<hbm>> -> memref<1x64x128xf32, #tpu.memory_space<hbm>>
      %dma_wait3A_191 = tpu.memref_squeeze %dma_wait3A_190 : memref<1x64x128xf32, #tpu.memory_space<hbm>> -> memref<64x128xf32, #tpu.memory_space<hbm>>
      %dma_wait3A_192 = arith.constant 0 : i32
      %dma_wait3A_193 = arith.constant 0 : i32
      %dma_wait3A_194 = tpu.memref_slice %arg4[%dma_wait3A, %dma_wait3A_192, %dma_wait3A_193] : memref<8x64x128xf32, #tpu.memory_space<vmem>> -> memref<1x64x128xf32, #tpu.memory_space<vmem>>
      %dma_wait3A_195 = tpu.memref_squeeze %dma_wait3A_194 : memref<1x64x128xf32, #tpu.memory_space<vmem>> -> memref<64x128xf32, #tpu.memory_space<vmem>>
      tpu.wait_dma2 semaphore(%dma_wait3A_187 : memref<!tpu.dma_semaphore, #tpu.memory_space<semaphore_mem>>) src(%dma_wait3A_195 : memref<64x128xf32, #tpu.memory_space<vmem>>) dst(%dma_wait3A_191 : memref<64x128xf32, #tpu.memory_space<hbm>>)
    } else {
    }
    %add3A_105 = arith.constant 7680 : i32
    %add3A_106 = arith.addi %add3A, %add3A_105 : i32
    %lt3A_107 = arith.constant 7813 : i32
    %lt3A_108 = arith.cmpi slt, %add3A_106, %lt3A_107 : i32
    %add3A_109 = arith.constant 7936 : i32
    %add3A_110 = arith.addi %add3A, %add3A_109 : i32
    %lt3A_111 = arith.constant 7813 : i32
    %lt3A_112 = arith.cmpi slt, %add3A_110, %lt3A_111 : i32
    %not3A_113 = arith.constant true
    %not3A_114 = arith.xori %lt3A_112, %not3A_113 : i1
    %and3A_115 = arith.andi %lt3A_108, %not3A_114 : i1
    %convert_element_type3A_116 = arith.extui %and3A_115 : i1 to i32
    %cond3A_117 = arith.constant 0 : i32
    %cond3A_118 = arith.cmpi ne, %convert_element_type3A_116, %cond3A_117 : i32
    scf.if %cond3A_118 {
      %add3A_175 = arith.constant 7680 : i32
      %add3A_176 = arith.addi %add3A, %add3A_175 : i32
      %dma_wait3A = arith.constant 0 : i32
      %dma_wait3A_177 = arith.constant 0 : i32
      %dma_wait3A_178 = arith.constant 0 : i32
      %dma_wait3A_179 = arith.constant 0 : i32
      %dma_wait3A_180 = tpu.memref_slice %arg4[%dma_wait3A, %dma_wait3A_178, %dma_wait3A_179] : memref<8x64x128xf32, #tpu.memory_space<vmem>> -> memref<1x64x128xf32, #tpu.memory_space<vmem>>
      %dma_wait3A_181 = tpu.memref_squeeze %dma_wait3A_180 : memref<1x64x128xf32, #tpu.memory_space<vmem>> -> memref<64x128xf32, #tpu.memory_space<vmem>>
      %dma_wait3A_182 = arith.constant 0 : i32
      %dma_wait3A_183 = arith.constant 0 : i32
      %dma_wait3A_184 = tpu.memref_slice %arg3[%add3A_176, %dma_wait3A_182, %dma_wait3A_183] : memref<7813x64x128xf32, #tpu.memory_space<hbm>> -> memref<1x64x128xf32, #tpu.memory_space<hbm>>
      %dma_wait3A_185 = tpu.memref_squeeze %dma_wait3A_184 : memref<1x64x128xf32, #tpu.memory_space<hbm>> -> memref<64x128xf32, #tpu.memory_space<hbm>>
      %dma_wait3A_186 = tpu.memref_slice %arg6[%dma_wait3A_177] : memref<8x!tpu.dma_semaphore, #tpu.memory_space<semaphore_mem>> -> memref<1x!tpu.dma_semaphore, #tpu.memory_space<semaphore_mem>>
      %dma_wait3A_187 = tpu.memref_squeeze %dma_wait3A_186 : memref<1x!tpu.dma_semaphore, #tpu.memory_space<semaphore_mem>> -> memref<!tpu.dma_semaphore, #tpu.memory_space<semaphore_mem>>
      %dma_wait3A_188 = arith.constant 0 : i32
      %dma_wait3A_189 = arith.constant 0 : i32
      %dma_wait3A_190 = tpu.memref_slice %arg3[%add3A_176, %dma_wait3A_188, %dma_wait3A_189] : memref<7813x64x128xf32, #tpu.memory_space<hbm>> -> memref<1x64x128xf32, #tpu.memory_space<hbm>>
      %dma_wait3A_191 = tpu.memref_squeeze %dma_wait3A_190 : memref<1x64x128xf32, #tpu.memory_space<hbm>> -> memref<64x128xf32, #tpu.memory_space<hbm>>
      %dma_wait3A_192 = arith.constant 0 : i32
      %dma_wait3A_193 = arith.constant 0 : i32
      %dma_wait3A_194 = tpu.memref_slice %arg4[%dma_wait3A, %dma_wait3A_192, %dma_wait3A_193] : memref<8x64x128xf32, #tpu.memory_space<vmem>> -> memref<1x64x128xf32, #tpu.memory_space<vmem>>
      %dma_wait3A_195 = tpu.memref_squeeze %dma_wait3A_194 : memref<1x64x128xf32, #tpu.memory_space<vmem>> -> memref<64x128xf32, #tpu.memory_space<vmem>>
      tpu.wait_dma2 semaphore(%dma_wait3A_187 : memref<!tpu.dma_semaphore, #tpu.memory_space<semaphore_mem>>) src(%dma_wait3A_195 : memref<64x128xf32, #tpu.memory_space<vmem>>) dst(%dma_wait3A_191 : memref<64x128xf32, #tpu.memory_space<hbm>>)
    } else {
    }
    %add3A_119 = arith.constant 7712 : i32
    %add3A_120 = arith.addi %add3A, %add3A_119 : i32
    %lt3A_121 = arith.constant 7813 : i32
    %lt3A_122 = arith.cmpi slt, %add3A_120, %lt3A_121 : i32
    %add3A_123 = arith.constant 7968 : i32
    %add3A_124 = arith.addi %add3A, %add3A_123 : i32
    %lt3A_125 = arith.constant 7813 : i32
    %lt3A_126 = arith.cmpi slt, %add3A_124, %lt3A_125 : i32
    %not3A_127 = arith.constant true
    %not3A_128 = arith.xori %lt3A_126, %not3A_127 : i1
    %and3A_129 = arith.andi %lt3A_122, %not3A_128 : i1
    %convert_element_type3A_130 = arith.extui %and3A_129 : i1 to i32
    %cond3A_131 = arith.constant 0 : i32
    %cond3A_132 = arith.cmpi ne, %convert_element_type3A_130, %cond3A_131 : i32
    scf.if %cond3A_132 {
      %add3A_175 = arith.constant 7712 : i32
      %add3A_176 = arith.addi %add3A, %add3A_175 : i32
      %dma_wait3A = arith.constant 1 : i32
      %dma_wait3A_177 = arith.constant 1 : i32
      %dma_wait3A_178 = arith.constant 0 : i32
      %dma_wait3A_179 = arith.constant 0 : i32
      %dma_wait3A_180 = tpu.memref_slice %arg4[%dma_wait3A, %dma_wait3A_178, %dma_wait3A_179] : memref<8x64x128xf32, #tpu.memory_space<vmem>> -> memref<1x64x128xf32, #tpu.memory_space<vmem>>
      %dma_wait3A_181 = tpu.memref_squeeze %dma_wait3A_180 : memref<1x64x128xf32, #tpu.memory_space<vmem>> -> memref<64x128xf32, #tpu.memory_space<vmem>>
      %dma_wait3A_182 = arith.constant 0 : i32
      %dma_wait3A_183 = arith.constant 0 : i32
      %dma_wait3A_184 = tpu.memref_slice %arg3[%add3A_176, %dma_wait3A_182, %dma_wait3A_183] : memref<7813x64x128xf32, #tpu.memory_space<hbm>> -> memref<1x64x128xf32, #tpu.memory_space<hbm>>
      %dma_wait3A_185 = tpu.memref_squeeze %dma_wait3A_184 : memref<1x64x128xf32, #tpu.memory_space<hbm>> -> memref<64x128xf32, #tpu.memory_space<hbm>>
      %dma_wait3A_186 = tpu.memref_slice %arg6[%dma_wait3A_177] : memref<8x!tpu.dma_semaphore, #tpu.memory_space<semaphore_mem>> -> memref<1x!tpu.dma_semaphore, #tpu.memory_space<semaphore_mem>>
      %dma_wait3A_187 = tpu.memref_squeeze %dma_wait3A_186 : memref<1x!tpu.dma_semaphore, #tpu.memory_space<semaphore_mem>> -> memref<!tpu.dma_semaphore, #tpu.memory_space<semaphore_mem>>
      %dma_wait3A_188 = arith.constant 0 : i32
      %dma_wait3A_189 = arith.constant 0 : i32
      %dma_wait3A_190 = tpu.memref_slice %arg3[%add3A_176, %dma_wait3A_188, %dma_wait3A_189] : memref<7813x64x128xf32, #tpu.memory_space<hbm>> -> memref<1x64x128xf32, #tpu.memory_space<hbm>>
      %dma_wait3A_191 = tpu.memref_squeeze %dma_wait3A_190 : memref<1x64x128xf32, #tpu.memory_space<hbm>> -> memref<64x128xf32, #tpu.memory_space<hbm>>
      %dma_wait3A_192 = arith.constant 0 : i32
      %dma_wait3A_193 = arith.constant 0 : i32
      %dma_wait3A_194 = tpu.memref_slice %arg4[%dma_wait3A, %dma_wait3A_192, %dma_wait3A_193] : memref<8x64x128xf32, #tpu.memory_space<vmem>> -> memref<1x64x128xf32, #tpu.memory_space<vmem>>
      %dma_wait3A_195 = tpu.memref_squeeze %dma_wait3A_194 : memref<1x64x128xf32, #tpu.memory_space<vmem>> -> memref<64x128xf32, #tpu.memory_space<vmem>>
      tpu.wait_dma2 semaphore(%dma_wait3A_187 : memref<!tpu.dma_semaphore, #tpu.memory_space<semaphore_mem>>) src(%dma_wait3A_195 : memref<64x128xf32, #tpu.memory_space<vmem>>) dst(%dma_wait3A_191 : memref<64x128xf32, #tpu.memory_space<hbm>>)
    } else {
    }
    %add3A_133 = arith.constant 7744 : i32
    %add3A_134 = arith.addi %add3A, %add3A_133 : i32
    %lt3A_135 = arith.constant 7813 : i32
    %lt3A_136 = arith.cmpi slt, %add3A_134, %lt3A_135 : i32
    %add3A_137 = arith.constant 8000 : i32
    %add3A_138 = arith.addi %add3A, %add3A_137 : i32
    %lt3A_139 = arith.constant 7813 : i32
    %lt3A_140 = arith.cmpi slt, %add3A_138, %lt3A_139 : i32
    %not3A_141 = arith.constant true
    %not3A_142 = arith.xori %lt3A_140, %not3A_141 : i1
    %and3A_143 = arith.andi %lt3A_136, %not3A_142 : i1
    %convert_element_type3A_144 = arith.extui %and3A_143 : i1 to i32
    %cond3A_145 = arith.constant 0 : i32
    %cond3A_146 = arith.cmpi ne, %convert_element_type3A_144, %cond3A_145 : i32
    scf.if %cond3A_146 {
      %add3A_175 = arith.constant 7744 : i32
      %add3A_176 = arith.addi %add3A, %add3A_175 : i32
      %dma_wait3A = arith.constant 2 : i32
      %dma_wait3A_177 = arith.constant 2 : i32
      %dma_wait3A_178 = arith.constant 0 : i32
      %dma_wait3A_179 = arith.constant 0 : i32
      %dma_wait3A_180 = tpu.memref_slice %arg4[%dma_wait3A, %dma_wait3A_178, %dma_wait3A_179] : memref<8x64x128xf32, #tpu.memory_space<vmem>> -> memref<1x64x128xf32, #tpu.memory_space<vmem>>
      %dma_wait3A_181 = tpu.memref_squeeze %dma_wait3A_180 : memref<1x64x128xf32, #tpu.memory_space<vmem>> -> memref<64x128xf32, #tpu.memory_space<vmem>>
      %dma_wait3A_182 = arith.constant 0 : i32
      %dma_wait3A_183 = arith.constant 0 : i32
      %dma_wait3A_184 = tpu.memref_slice %arg3[%add3A_176, %dma_wait3A_182, %dma_wait3A_183] : memref<7813x64x128xf32, #tpu.memory_space<hbm>> -> memref<1x64x128xf32, #tpu.memory_space<hbm>>
      %dma_wait3A_185 = tpu.memref_squeeze %dma_wait3A_184 : memref<1x64x128xf32, #tpu.memory_space<hbm>> -> memref<64x128xf32, #tpu.memory_space<hbm>>
      %dma_wait3A_186 = tpu.memref_slice %arg6[%dma_wait3A_177] : memref<8x!tpu.dma_semaphore, #tpu.memory_space<semaphore_mem>> -> memref<1x!tpu.dma_semaphore, #tpu.memory_space<semaphore_mem>>
      %dma_wait3A_187 = tpu.memref_squeeze %dma_wait3A_186 : memref<1x!tpu.dma_semaphore, #tpu.memory_space<semaphore_mem>> -> memref<!tpu.dma_semaphore, #tpu.memory_space<semaphore_mem>>
      %dma_wait3A_188 = arith.constant 0 : i32
      %dma_wait3A_189 = arith.constant 0 : i32
      %dma_wait3A_190 = tpu.memref_slice %arg3[%add3A_176, %dma_wait3A_188, %dma_wait3A_189] : memref<7813x64x128xf32, #tpu.memory_space<hbm>> -> memref<1x64x128xf32, #tpu.memory_space<hbm>>
      %dma_wait3A_191 = tpu.memref_squeeze %dma_wait3A_190 : memref<1x64x128xf32, #tpu.memory_space<hbm>> -> memref<64x128xf32, #tpu.memory_space<hbm>>
      %dma_wait3A_192 = arith.constant 0 : i32
      %dma_wait3A_193 = arith.constant 0 : i32
      %dma_wait3A_194 = tpu.memref_slice %arg4[%dma_wait3A, %dma_wait3A_192, %dma_wait3A_193] : memref<8x64x128xf32, #tpu.memory_space<vmem>> -> memref<1x64x128xf32, #tpu.memory_space<vmem>>
      %dma_wait3A_195 = tpu.memref_squeeze %dma_wait3A_194 : memref<1x64x128xf32, #tpu.memory_space<vmem>> -> memref<64x128xf32, #tpu.memory_space<vmem>>
      tpu.wait_dma2 semaphore(%dma_wait3A_187 : memref<!tpu.dma_semaphore, #tpu.memory_space<semaphore_mem>>) src(%dma_wait3A_195 : memref<64x128xf32, #tpu.memory_space<vmem>>) dst(%dma_wait3A_191 : memref<64x128xf32, #tpu.memory_space<hbm>>)
    } else {
    }
    %add3A_147 = arith.constant 7776 : i32
    %add3A_148 = arith.addi %add3A, %add3A_147 : i32
    %lt3A_149 = arith.constant 7813 : i32
    %lt3A_150 = arith.cmpi slt, %add3A_148, %lt3A_149 : i32
    %add3A_151 = arith.constant 8032 : i32
    %add3A_152 = arith.addi %add3A, %add3A_151 : i32
    %lt3A_153 = arith.constant 7813 : i32
    %lt3A_154 = arith.cmpi slt, %add3A_152, %lt3A_153 : i32
    %not3A_155 = arith.constant true
    %not3A_156 = arith.xori %lt3A_154, %not3A_155 : i1
    %and3A_157 = arith.andi %lt3A_150, %not3A_156 : i1
    %convert_element_type3A_158 = arith.extui %and3A_157 : i1 to i32
    %cond3A_159 = arith.constant 0 : i32
    %cond3A_160 = arith.cmpi ne, %convert_element_type3A_158, %cond3A_159 : i32
    scf.if %cond3A_160 {
      %add3A_175 = arith.constant 7776 : i32
      %add3A_176 = arith.addi %add3A, %add3A_175 : i32
      %dma_wait3A = arith.constant 3 : i32
      %dma_wait3A_177 = arith.constant 3 : i32
      %dma_wait3A_178 = arith.constant 0 : i32
      %dma_wait3A_179 = arith.constant 0 : i32
      %dma_wait3A_180 = tpu.memref_slice %arg4[%dma_wait3A, %dma_wait3A_178, %dma_wait3A_179] : memref<8x64x128xf32, #tpu.memory_space<vmem>> -> memref<1x64x128xf32, #tpu.memory_space<vmem>>
      %dma_wait3A_181 = tpu.memref_squeeze %dma_wait3A_180 : memref<1x64x128xf32, #tpu.memory_space<vmem>> -> memref<64x128xf32, #tpu.memory_space<vmem>>
      %dma_wait3A_182 = arith.constant 0 : i32
      %dma_wait3A_183 = arith.constant 0 : i32
      %dma_wait3A_184 = tpu.memref_slice %arg3[%add3A_176, %dma_wait3A_182, %dma_wait3A_183] : memref<7813x64x128xf32, #tpu.memory_space<hbm>> -> memref<1x64x128xf32, #tpu.memory_space<hbm>>
      %dma_wait3A_185 = tpu.memref_squeeze %dma_wait3A_184 : memref<1x64x128xf32, #tpu.memory_space<hbm>> -> memref<64x128xf32, #tpu.memory_space<hbm>>
      %dma_wait3A_186 = tpu.memref_slice %arg6[%dma_wait3A_177] : memref<8x!tpu.dma_semaphore, #tpu.memory_space<semaphore_mem>> -> memref<1x!tpu.dma_semaphore, #tpu.memory_space<semaphore_mem>>
      %dma_wait3A_187 = tpu.memref_squeeze %dma_wait3A_186 : memref<1x!tpu.dma_semaphore, #tpu.memory_space<semaphore_mem>> -> memref<!tpu.dma_semaphore, #tpu.memory_space<semaphore_mem>>
      %dma_wait3A_188 = arith.constant 0 : i32
      %dma_wait3A_189 = arith.constant 0 : i32
      %dma_wait3A_190 = tpu.memref_slice %arg3[%add3A_176, %dma_wait3A_188, %dma_wait3A_189] : memref<7813x64x128xf32, #tpu.memory_space<hbm>> -> memref<1x64x128xf32, #tpu.memory_space<hbm>>
      %dma_wait3A_191 = tpu.memref_squeeze %dma_wait3A_190 : memref<1x64x128xf32, #tpu.memory_space<hbm>> -> memref<64x128xf32, #tpu.memory_space<hbm>>
      %dma_wait3A_192 = arith.constant 0 : i32
      %dma_wait3A_193 = arith.constant 0 : i32
      %dma_wait3A_194 = tpu.memref_slice %arg4[%dma_wait3A, %dma_wait3A_192, %dma_wait3A_193] : memref<8x64x128xf32, #tpu.memory_space<vmem>> -> memref<1x64x128xf32, #tpu.memory_space<vmem>>
      %dma_wait3A_195 = tpu.memref_squeeze %dma_wait3A_194 : memref<1x64x128xf32, #tpu.memory_space<vmem>> -> memref<64x128xf32, #tpu.memory_space<vmem>>
      tpu.wait_dma2 semaphore(%dma_wait3A_187 : memref<!tpu.dma_semaphore, #tpu.memory_space<semaphore_mem>>) src(%dma_wait3A_195 : memref<64x128xf32, #tpu.memory_space<vmem>>) dst(%dma_wait3A_191 : memref<64x128xf32, #tpu.memory_space<hbm>>)
    } else {
    }
    %add3A_161 = arith.constant 7808 : i32
    %add3A_162 = arith.addi %add3A, %add3A_161 : i32
    %lt3A_163 = arith.constant 7813 : i32
    %lt3A_164 = arith.cmpi slt, %add3A_162, %lt3A_163 : i32
    %add3A_165 = arith.constant 8064 : i32
    %add3A_166 = arith.addi %add3A, %add3A_165 : i32
    %lt3A_167 = arith.constant 7813 : i32
    %lt3A_168 = arith.cmpi slt, %add3A_166, %lt3A_167 : i32
    %not3A_169 = arith.constant true
    %not3A_170 = arith.xori %lt3A_168, %not3A_169 : i1
    %and3A_171 = arith.andi %lt3A_164, %not3A_170 : i1
    %convert_element_type3A_172 = arith.extui %and3A_171 : i1 to i32
    %cond3A_173 = arith.constant 0 : i32
    %cond3A_174 = arith.cmpi ne, %convert_element_type3A_172, %cond3A_173 : i32
    scf.if %cond3A_174 {
      %add3A_175 = arith.constant 7808 : i32
      %add3A_176 = arith.addi %add3A, %add3A_175 : i32
      %dma_wait3A = arith.constant 4 : i32
      %dma_wait3A_177 = arith.constant 4 : i32
      %dma_wait3A_178 = arith.constant 0 : i32
      %dma_wait3A_179 = arith.constant 0 : i32
      %dma_wait3A_180 = tpu.memref_slice %arg4[%dma_wait3A, %dma_wait3A_178, %dma_wait3A_179] : memref<8x64x128xf32, #tpu.memory_space<vmem>> -> memref<1x64x128xf32, #tpu.memory_space<vmem>>
      %dma_wait3A_181 = tpu.memref_squeeze %dma_wait3A_180 : memref<1x64x128xf32, #tpu.memory_space<vmem>> -> memref<64x128xf32, #tpu.memory_space<vmem>>
      %dma_wait3A_182 = arith.constant 0 : i32
      %dma_wait3A_183 = arith.constant 0 : i32
      %dma_wait3A_184 = tpu.memref_slice %arg3[%add3A_176, %dma_wait3A_182, %dma_wait3A_183] : memref<7813x64x128xf32, #tpu.memory_space<hbm>> -> memref<1x64x128xf32, #tpu.memory_space<hbm>>
      %dma_wait3A_185 = tpu.memref_squeeze %dma_wait3A_184 : memref<1x64x128xf32, #tpu.memory_space<hbm>> -> memref<64x128xf32, #tpu.memory_space<hbm>>
      %dma_wait3A_186 = tpu.memref_slice %arg6[%dma_wait3A_177] : memref<8x!tpu.dma_semaphore, #tpu.memory_space<semaphore_mem>> -> memref<1x!tpu.dma_semaphore, #tpu.memory_space<semaphore_mem>>
      %dma_wait3A_187 = tpu.memref_squeeze %dma_wait3A_186 : memref<1x!tpu.dma_semaphore, #tpu.memory_space<semaphore_mem>> -> memref<!tpu.dma_semaphore, #tpu.memory_space<semaphore_mem>>
      %dma_wait3A_188 = arith.constant 0 : i32
      %dma_wait3A_189 = arith.constant 0 : i32
      %dma_wait3A_190 = tpu.memref_slice %arg3[%add3A_176, %dma_wait3A_188, %dma_wait3A_189] : memref<7813x64x128xf32, #tpu.memory_space<hbm>> -> memref<1x64x128xf32, #tpu.memory_space<hbm>>
      %dma_wait3A_191 = tpu.memref_squeeze %dma_wait3A_190 : memref<1x64x128xf32, #tpu.memory_space<hbm>> -> memref<64x128xf32, #tpu.memory_space<hbm>>
      %dma_wait3A_192 = arith.constant 0 : i32
      %dma_wait3A_193 = arith.constant 0 : i32
      %dma_wait3A_194 = tpu.memref_slice %arg4[%dma_wait3A, %dma_wait3A_192, %dma_wait3A_193] : memref<8x64x128xf32, #tpu.memory_space<vmem>> -> memref<1x64x128xf32, #tpu.memory_space<vmem>>
      %dma_wait3A_195 = tpu.memref_squeeze %dma_wait3A_194 : memref<1x64x128xf32, #tpu.memory_space<vmem>> -> memref<64x128xf32, #tpu.memory_space<vmem>>
      tpu.wait_dma2 semaphore(%dma_wait3A_187 : memref<!tpu.dma_semaphore, #tpu.memory_space<semaphore_mem>>) src(%dma_wait3A_195 : memref<64x128xf32, #tpu.memory_space<vmem>>) dst(%dma_wait3A_191 : memref<64x128xf32, #tpu.memory_space<hbm>>)
    } else {
    }
    return
  }
}

</mosaic_0001>

<sc_bundles>
// kernel: _tilegrid_call.3.cloned.1.call-start
scs
__scs_entry_jumppad:
0x0: {  	(pc) =	sbr.rel $0x88, $3  }
0x1: {  	(tag) =	ssettag $0x0;
	lr =	simm.s32 $0x1  }
0x2: {  	[smem:$0x3FA0] =	sst lr;
	_ =	strace $0xD0000000  }
0x3: {  	_ = 	snop  }
0x4: {  	_ = 	snop  }
0x5: {  	_ = 	snop  }
0x6: {  	_ = 	snop  }
0x7: {  	_ = 	snop  }
__scs_overlays_trampoline_lowered:
0x8: {  	[smem:$0x3FAF] =	sst s0  }
0x9: {  	[smem:$0x3FB0] =	sst s1  }
0xa: {  	[smem:$0x3FB1] =	sst s2  }
0xb: {  	[smem:$0x3FB2] =	sst s3  }
0xc: {  	[smem:$0x3FB3] =	sst s4  }
0xd: {  	[smem:$0x3FB4] =	sst s5  }
0xe: {  	[smem:$0x3FB5] =	sst s6  }
0xf: {  	[smem:$0x3FB6] =	sst s7  }
0x10: {  	[smem:$0x3FB7] =	sst s8  }
0x11: {  	[smem:$0x3FB8] =	sst s9;
	s0 =	simm.s32 @!p0 $0x0  }
0x12: {  	s1 =	sld [smem:$0x3F9E];
	s0 =	simm.s32 @p0 $0x1  }
0x13: {  	[smem:$0x3FB9] =	sst s0;
	s0 =	simm.s32 @!p1 $0x0  }
0x14: {  	s2 =	sld [smem:$0x3F9D];
	s0 =	simm.s32 @p1 $0x1  }
0x15: {  	[smem:$0x3FBA] =	sst s0;
	s0 =	simm.s32 @!p2 $0x0  }
0x16: {  	s3 =	sld [smem:$0x3FDB];
	s0 =	simm.s32 @p2 $0x1  }
0x17: {  	s4 =	simm.s32 $0x1BF5;
	[smem:$0x3FBC] =	sst s0  }
0x18: {  	s0 =	sld [smem:$0x3F9F];
	_ =	swait.ge [sflag:s4], $0x0  }
0x19: {  	s7 =	sld [smem:$0x3FA0]  }
0x1a: {  	s8 =	sadd.s32 $0xFFFFE003, lr  }
0x1b: {  	s9 =	sadd.s32 $0xFFFFFEF7, lr;
	s5 =	simm.s32 $0xFFFFFFFF;
	p2 =	slt.u32 s8, $0xFFFFF086  }
0x1c: {  	p1 =	slt.u32 s9, $0xF7A;
	s5 =	simm.s32 @!p2 $0x0  }
0x1d: {  	s5 =	simm.s32 @p1 $0x1;
	p0 =	seq.s32 s7, s2  }
0x1e: {  	s7 =	smul.u32 @!p0 $0xF7A, s2;
	p2 =	seq.s32 @!p0 s5, $0x0  }
0x1f: {  	s9 =	smul.u32 $0xF7A, s1;
	s8 =	simm.s32 @!p0 $0x1BF5;
	p2 =	por !p2, p0  }
0x20: {  	[sflag:s8] =	ssyncset.s32 @!p0 $0xFFFFF086;
	s6 =	sadd.s32 @!p0 s3, s7;
	s7 =	simm.s32 @!p0 $0x108  }
0x21: {  	s3 =	sadd.s32 s3, s9;
	s6 =	sadd.s32 @!p0 $0x88, s6;
	s7 =	simm.s32 @p2 $0x1082  }
0x22: {  	[simem:s7], [sflag:s8] =	dma.local @!p0 [hbm:s6], $0xF7A  }
0x23: {  	s9 =	sor.u32 $0xD0000000, s2;
	s6 =	simm.s32 $0x108;
	_ =	swait.ge @!p0 [sflag:s8], $0x0  }
0x24: {  	s3 =	sadd.s32 $0x88, s3;
	s6 =	simm.s32 @!p1 $0x1082;
	[sflag:s4] =	ssyncset.s32 $0xFFFFF086  }
0x25: {  	[simem:s6], [sflag:s4] =	dma.local [hbm:s3], $0xF7A  }
0x26: {  	[smem:$0x3FA0] =	sst s1;
	(tag) =	ssettag s2;
	_ =	strace s9  }
0x27: {  	s1 =	sld [smem:$0x3FB0]  }
0x28: {  	s2 =	sld [smem:$0x3FB1]  }
0x29: {  	s4 =	sld [smem:$0x3FB3]  }
0x2a: {  	p0 =	seq.s32 s5, $0x0;
	s5 =	sld [smem:$0x3FB4]  }
0x2b: {  	s6 =	sld [smem:$0x3FB5]  }
0x2c: {  	s7 =	sld [smem:$0x3FB6]  }
0x2d: {  	s3 =	simm.s32 $0x108;
	s8 =	sld [smem:$0x3FB7]  }
0x2e: {  	s3 =	simm.s32 @!p0 $0x1082;
	s9 =	sld [smem:$0x3FB8]  }
0x2f: {  	lr =	sadd.s32 s0, s3;
	s0 =	sld [smem:$0x3FAF]  }
0x30: {  	s3 =	sld [smem:$0x3FB2]  }
0x31: {  	[smem:$0x3FBB] =	sst s10  }
0x32: {  	s10 =	sld [smem:$0x3FB9];
	_ =	sdelay $0x3  }
0x33: {  	p0 =	seq.s32 s10, $0x1;
	s10 =	sld [smem:$0x3FBB];
	_ =	sdelay $0x3  }
0x34: {  	[smem:$0x3FBB] =	sst s10  }
0x35: {  	s10 =	sld [smem:$0x3FBA];
	_ =	sdelay $0x3  }
0x36: {  	p1 =	seq.s32 s10, $0x1;
	s10 =	sld [smem:$0x3FBB];
	_ =	sdelay $0x3  }
0x37: {  	[smem:$0x3FBB] =	sst s10  }
0x38: {  	s10 =	sld [smem:$0x3FBC]  }
0x39: {  	_ = 	snop;
	(pc) =	sbr.ind lr, $3  }
0x3a: {  	_ = 	snop  }
0x3b: {  	_ = 	snop  }
0x3c: {  	p2 =	seq.s32 s10, $0x1;
	s10 =	sld [smem:$0x3FBB]  }
0x3d: {  	_ =	shalt  }
0x3e: {  	_ =	shalt  }
0x3f: {  	_ =	shalt  }
0x40: {  	_ =	shalt  }
0x41: {  	_ =	shalt  }
0x42: {  	_ =	shalt  }
0x43: {  	_ =	shalt  }
0x44: {  	_ =	shalt  }
0x45: {  	_ =	shalt  }
0x46: {  	_ =	shalt  }
0x47: {  	_ =	shalt  }
0x48: {  	_ =	shalt  }
0x49: {  	_ =	shalt  }
0x4a: {  	_ =	shalt  }
0x4b: {  	_ =	shalt  }
0x4c: {  	_ =	shalt  }
0x4d: {  	_ =	shalt  }
0x4e: {  	_ =	shalt  }
0x4f: {  	_ =	shalt  }
0x50: {  	_ =	shalt  }
0x51: {  	_ =	shalt  }
0x52: {  	_ =	shalt  }
0x53: {  	_ =	shalt  }
0x54: {  	_ =	shalt  }
0x55: {  	_ =	shalt  }
0x56: {  	_ =	shalt  }
0x57: {  	_ =	shalt  }
0x58: {  	_ =	shalt  }
0x59: {  	_ =	shalt  }
0x5a: {  	_ =	shalt  }
0x5b: {  	_ =	shalt  }
0x5c: {  	_ =	shalt  }
0x5d: {  	_ =	shalt  }
0x5e: {  	_ =	shalt  }
0x5f: {  	_ =	shalt  }
0x60: {  	_ =	shalt  }
0x61: {  	_ =	shalt  }
0x62: {  	_ =	shalt  }
0x63: {  	_ =	shalt  }
0x64: {  	_ =	shalt  }
0x65: {  	_ =	shalt  }
0x66: {  	_ =	shalt  }
0x67: {  	_ =	shalt  }
0x68: {  	_ =	shalt  }
0x69: {  	_ =	shalt  }
0x6a: {  	_ =	shalt  }
0x6b: {  	_ =	shalt  }
0x6c: {  	_ =	shalt  }
0x6d: {  	_ =	shalt  }
0x6e: {  	_ =	shalt  }
0x6f: {  	_ =	shalt  }
0x70: {  	_ =	shalt  }
0x71: {  	_ =	shalt  }
0x72: {  	_ =	shalt  }
0x73: {  	_ =	shalt  }
0x74: {  	_ =	shalt  }
0x75: {  	_ =	shalt  }
0x76: {  	_ =	shalt  }
0x77: {  	_ =	shalt  }
0x78: {  	_ =	shalt  }
0x79: {  	_ =	shalt  }
0x7a: {  	_ =	shalt  }
0x7b: {  	_ =	shalt  }
0x7c: {  	_ =	shalt  }
0x7d: {  	_ =	shalt  }
0x7e: {  	_ =	shalt  }
0x7f: {  	_ =	shalt  }
0x80: {  	_ =	shalt  }
0x81: {  	_ =	shalt  }
0x82: {  	_ =	shalt  }
0x83: {  	_ =	shalt  }
0x84: {  	_ =	shalt  }
0x85: {  	_ =	shalt  }
0x86: {  	_ =	shalt  }
0x87: {  	_ =	shalt  }
.Lfunc_end0:
.L_simem_size_0:
called_computation_lowered:
.L_overlay_start_0:
0x88: {  	s2 =	sld [smem:$0x3FD9]  }
0x89: {  	s3 =	sld [smem:$0x3FFE];
	_ =	sdelay $0x1  }
0x8a: {  	s1 =	srdreg.scid  }
0x8b: {  	s0 =	sand.u32 $0x1, s1  }
0x8c: {  	s18 =	sshll.u32 s0, $0xA;
	s2 =	sadd.s32 s3, s2  }
0x8d: {  	s2 =	sadd.s32 s2, s18  }
0x8e: {  	[smem:$0x3FC7] =	sst s2  }
0x8f: {  	_ = 	snop  }
0x90: {  	s2 =	sld [smem:$0x3FC9]  }
0x91: {  	s19 =	sld [smem:$0x3FD0];
	(tm) =	ssettm $0x1  }
0x92: {  	s4 =	sld [smem:$0x3FFB];
	_ =	sdelay $0x3  }
0x93: {  	_ =	strace s4  }
0x94: {  	s4 =	sld [smem:$0x3FFC];
	_ =	sdelay $0x3  }
0x95: {  	_ =	strace s4  }
0x96: {  	s4 =	sld [smem:$0x3FFD];
	_ =	sdelay $0x3  }
0x97: {  	_ =	strace s4  }
0x98: {  	_ =	strace $0x8FFFFFFF  }
0x99: {  	s20 =	sld [smem:$0x3FDB];
	_ =	sdelay $0x1  }
0x9a: {  	s5 =	simm.s32 $_scs_section_size  }
0x9b: {  	s6 =	simm.s32 $_size__tile_overlayer_lowered;
	s7 =	simm.s32 $_tile_overlayer_lowered  }
0x9c: {  	s23 =	simm.s32 $0x1BFF;
	s22 =	sshll.u32 s7, $0x1;
	s4 =	sadd.s32 s5, s20  }
0x9d: {  	s8 =	simm.s32 $0x0;
	s21 =	sshll.u32 s6, $0x1;
	s6 =	sadd.s32 s22, s4  }
0x9e: {  	[timem:s8], [sflag:s23] =	dma.local [hbm:s6], s21  }
0x9f: {  	_ =	swait.ge [sflag:s23], s21  }
0xa0: {  	s5 =	ssub.s32 $0x0, s21;
	[sflag:s23] =	ssyncset.done $0x0  }
0xa1: {  	[sflag:s23] =	ssyncadd.s32 s5;
	_ =	sdelay $0x1  }
0xa2: {  	s24 =	simm.s32 $0x1B8B  }
0xa3: {  	_ =	swait.ge [sflag:s24], $0x1  }
0xa4: {  	[sflag:s24] =	ssyncset.done $0x0  }
0xa5: {  	s25 =	simm.s32 $0x1B8E;
	[sflag:s24] =	ssyncadd.s32 $0xFFFFFFFF  }
0xa6: {  	s26 =	simm.s32 $execute0_lowered;
	[smem:$0x3FD2] =	sst s25  }
0xa7: {  	s5 =	sshll.u32 s26, $0x1;
	_ =	strace $0x80000046;
	[dreg:$0x1] =	wrdreg $0xFFFFFFFF  }
0xa8: {  	s28 =	simm.s32 $_size_execute0_lowered;
	s4 =	sadd.s32 s4, s5;
	[dreg:$0x0] =	wrdreg $0x0  }
0xa9: {  	s5 =	sshll.u32 s28, $0x1;
	[dreg:$0x2] =	wrdreg s4  }
0xaa: {  	[dreg:$0x3] =	wrdreg s5  }
0xab: {  	[dreg:$0x4] =	wrdreg $0xC0  }
0xac: {  	_ =	task [dreg:s8], $0x5FFFF  }
0xad: {  	[dreg:$0x1] =	wrdreg $0xFFFFFFFF  }
0xae: {  	[dreg:$0x0] =	wrdreg $0x60  }
0xaf: {  	[dreg:$0x2] =	wrdreg s2  }
0xb0: {  	[dreg:$0x3] =	wrdreg s19  }
0xb1: {  	[dreg:$0x4] =	wrdreg $0x9  }
0xb2: {  	_ =	task.clear_ibuf [dreg:s8], $0x5FFFF;
	_ =	strace $0x90000046  }
0xb3: {  	s29 =	simm.s32 $0x9;
	_ =	strace $0x80000048  }
0xb4: {  	_ =	swait.ge [sflag:s29], $0x1  }
0xb5: {  	[sflag:s29] =	ssyncadd.s32 $0xFFFFFFFF  }
0xb6: {  	_ =	strace $0x90000048  }
0xb7: {  	_ =	sfence  }
0xb8: {  	s30 =	sld [smem:$0x0];
	_ =	sdelay $0x2  }
0xb9: {  	s31 =	sshll.u32 s1, $0xD;
	s1 =	sshrl.u32 s1, $0x2  }
0xba: {  	s3 =	sand.u32 $0x4000, s31;
	s1 =	sadd.s32 s1, s30  }
0xbb: {  	s0 =	sor.u32 s3, s0;
	s1 =	sshll.u32 s1, $0x11  }
0xbc: {  	s0 =	sor.u32 s1, s0  }
0xbd: {  	s0 =	sadd.s32 $0x8F2B, s0  }
0xbe: {  	[sflag:s0] =	ssyncadd.remote.s32 $0x1  }
0xbf: {  	_ =	sfence.sel $0xFFFF  }
0xc0: {  	[dreg:$0x0] =	wrdreg $0xFFFFFFFF;
	(pc) =	sbr.abs _section_cstart, $3  }
0xc1: {  	[dreg:$0x1] =	wrdreg $0xFFFFFFFF  }
0xc2: {  	_ =	task.clear_ibuf [dreg:s8], $0x2FFFF;
	_ =	strace $0x9FFFFFFF  }
0xc3: {  	(tm) =	ssettm $0x7FFFFFFF  }
tec
execute0_lowered:
.L_overlay_start_1:
0x0: {  	(tag) =	ssettag $0x1  }
0x1: {  	s0 =	rddreg [dreg:$0x0]  }
0x2: {  	s1 =	rddreg [dreg:$0x1]  }
0x3: {  	s2 =	srdreg.scid;
	s8 =	stileid.u32;
	s16 =	simm.s32 $0x2000  }
0x4: {  	s17 =	simm.s32 $0x4000;
	s18 =	simm.s32 $0x6000;
	s22 =	simm.s32 $0x1  }
0x5: {  	s4 =	sand.u32 $0x1, s2;
	s3 =	sshll.u32 s8, $0x1;
	s2 =	simm.s32 $0x0  }
0x6: {  	s29 =	sshll.u32 s8, $0xB;
	s30 =	sshll.u32 s8, $0x8;
	s5 =	ssub.s32 $0x2, s4  }
0x7: {  	s3 =	sor.u32 s4, s3;
	[smem:$0x7FF] =	sst s2;
	s1 =	sadd.s32 s29, s1  }
0x8: {  	s31 =	sshll.u32 s4, $0xA;
	s4 =	sshll.u32 s4, $0x7;
	s6 =	sshrl.u32 s5, $0x1  }
0x9: {  	s7 =	sshll.u32 s3, $0x7;
	_ =	strace $0x80000047;
	s1 =	sadd.s32 s31, s1  }
0xa: {  	p0 =	slt.u32 s3, $0x5;
	s5 =	ssub.s32 s5, s6;
	s7 =	sadd.s32 s0, s7  }
0xb: {  	s0 =	sadd.s32 s30, s0;
	s23 =	sadd.s32 $0x1000, s7;
	[dreg:$0x3] =	wrdreg s7  }
0xc: {  	s8 =	sadd.s32 $0x20000, s1;
	s24 =	sadd.s32 $0x2000, s7;
	[dreg:$0x4] =	wrdreg s23  }
0xd: {  	s25 =	sadd.s32 $0x3000, s7;
	s26 =	sadd.s32 $0x4000, s7;
	[dreg:$0x5] =	wrdreg s24  }
0xe: {  	s28 =	sadd.s32 $0x5000, s7;
	s7 =	sadd.s32 $0x6000, s7;
	[dreg:$0x6] =	wrdreg s25  }
0xf: {  	s5 =	smax.u32 s5, $0x1;
	s0 =	sadd.s32 s4, s0;
	[dreg:$0x7] =	wrdreg s26  }
0x10: {  	[dreg:$0x8] =	wrdreg s28;
	s13 =	sadd.s32 $0x7000, s0;
	s0 =	simm.s32 @!p0 $0x0  }
0x11: {  	[dreg:$0x9] =	wrdreg s7;
	s0 =	simm.s32 @p0 $0x1;
	p0 =	sgt.u32 s3, $0x4  }
0x12: {  	s4 =	simm.s32 $0x0;
	[smem:$0x7FC] =	sst s0;
	s0 =	simm.s32 @!p0 $0x0  }
0x13: {  	[dreg:$0xa] =	wrdreg s5;
	s23 =	simm.s32 $0x2;
	s0 =	simm.s32 @p0 $0x1  }
0x14: {  	s24 =	simm.s32 $0x3;
	s25 =	simm.s32 $0x4;
	[smem:$0x7FD] =	sst s0  }
.LBB2_1:
0x15: {  	[dreg:$0xb] =	wrdreg s4  }
0x16: {  	s0 =	rddreg [dreg:$0x3];
	s1 =	simm.s32 $0x400;
	s21 =	simm.s32 $0x7A1400  }
0x17: {  	[tilespmem:s2], [sflag:$0x1] =	stream.strided.gather [hbm4b:s0+s1], $0x2000, s21, s1, $0x38;
	[tilespmem:$0x10000] =	vst v63  }
0x18: {  	s26 =	rddreg [dreg:$0x4];
	s4 =	sadd.s32 $0x0, s3  }
0x19: {  	[tilespmem:s16], [sflag:$0x2] =	stream.strided.gather [hbm4b:s26+s1], $0x2000, s21, s1, $0x38;
	[tilespmem:$0x10000] =	vst v63  }
0x1a: {  	s30 =	rddreg [dreg:$0x5];
	s12 =	sadd.s32 $0xE0, s4  }
0x1b: {  	[tilespmem:s17], [sflag:$0x3] =	stream.strided.gather [hbm4b:s30+s1], $0x2000, s21, s1, $0x38;
	[tilespmem:$0x10000] =	vst v63  }
0x1c: {  	s5 =	rddreg [dreg:$0x6];
	p2 =	sgt.u32 s12, $0x1E84  }
0x1d: {  	[tilespmem:s18], [sflag:$0x4] =	stream.strided.gather [hbm4b:s5+s1], $0x2000, s21, s1, $0x38;
	[tilespmem:$0x10000] =	vst v63  }
0x1e: {  	s6 =	rddreg [dreg:$0x7];
	p0 =	por @!p2 $0x1, $0x1;
	s5 =	simm.s32 $0x8000  }
0x1f: {  	[tilespmem:s5], [sflag:$0x5] =	stream.strided.gather [hbm4b:s6+s1], $0x2000, s21, s1, $0x38;
	[tilespmem:$0x10000] =	vst v63  }
0x20: {  	s7 =	rddreg [dreg:$0x8];
	s9 =	simm.s32 $0xA000;
	p0 =	por p0, p2  }
0x21: {  	[tilespmem:s9], [sflag:$0x6] =	stream.strided.gather [hbm4b:s7+s1], $0x2000, s21, s1, $0x38;
	[tilespmem:$0x10000] =	vst v63  }
0x22: {  	s10 =	rddreg [dreg:$0x9];
	s11 =	simm.s32 $0xC000;
	s0 =	simm.s32 @!p0 $0x10  }
0x23: {  	[tilespmem:s11], [sflag:$0x7] =	stream.strided.gather [hbm4b:s10+s1], $0x2000, s21, s1, $0x38;
	[tilespmem:$0x10000] =	vst v63  }
0x24: {  	_ =	swait.ge @!p0 [sflag:s0], $0x2000  }
0x25: {  	s5 =	simm.s32 @!p2 $0xE000;
	[sflag:s0] =	ssyncset.done @!p0 $0x0  }
0x26: {  	s6 =	simm.s32 @!p2 $0x7A1400;
	s1 =	simm.s32 @!p2 $0x400;
	[sflag:s0] =	ssyncadd.s32 @!p0 $0xFFFFE000  }
0x27: {  	[tilespmem:s5], [sflag:$0x8] =	stream.strided.gather @!p2 [hbm4b:s13+s1], $0x2000, s6, s1, $0x38;
	[tilespmem:$0x10000] =	vst v63  }
0x28: {  	s14 =	sadd.s32 $0x100, s4;
	_ =	swait.ge [sflag:s22], $0x2000  }
0x29: {  	p0 =	sgt.u32 s14, $0x1E84;
	[sflag:s22] =	ssyncset.done $0x0  }
0x2a: {  	s15 =	sadd.s32 $0xFFFE0000, s8;
	s0 =	simm.s32 @!p0 $0x9;
	[sflag:s22] =	ssyncadd.s32 $0xFFFFE000  }
0x2b: {  	[hbm4b:s15+s2] =	stream.linear.scatter [tilespmem:s2], [sflag:$0x9], $0x2000, $0x38;
	[tilespmem:$0x10000] =	vst v63  }
0x2c: {  	s19 =	sadd.s32 $0x120, s4;
	_ =	swait.ge @!p0 [sflag:s0], $0x2000  }
0x2d: {  	s1 =	simm.s32 @!p0 $0x7A1400;
	s6 =	simm.s32 @!p0 $0x0;
	[sflag:s0] =	ssyncset.done @!p0 $0x0  }
0x2e: {  	s7 =	sadd.s32 @!p0 $0x1000, s13;
	s9 =	simm.s32 @!p0 $0x400;
	[sflag:s0] =	ssyncadd.s32 @!p0 $0xFFFFE000  }
0x2f: {  	[tilespmem:s6], [sflag:$0x1] =	stream.strided.gather @!p0 [hbm4b:s7+s9], $0x2000, s1, s9, $0x38;
	[tilespmem:$0x10000] =	vst v63  }
0x30: {  	s20 =	sadd.s32 $0x140, s4;
	s26 =	sadd.s32 $0x1C0, s4;
	_ =	swait.ge [sflag:s23], $0x2000  }
0x31: {  	p5 =	sgt.u32 s26, $0x1E84;
	p0 =	sgt.u32 s19, $0x1E84;
	[sflag:s23] =	ssyncset.done $0x0  }
0x32: {  	s21 =	sadd.s32 $0xFFFE8000, s8;
	s7 =	simm.s32 @!p0 $0xA;
	[sflag:s23] =	ssyncadd.s32 $0xFFFFE000  }
0x33: {  	[hbm4b:s21+s2] =	stream.linear.scatter [tilespmem:s16], [sflag:$0xA], $0x2000, $0x38;
	[tilespmem:$0x10000] =	vst v63  }
0x34: {  	s26 =	sadd.s32 $0xC0, s4;
	s30 =	sadd.s32 $0x1A0, s4;
	_ =	swait.ge @!p0 [sflag:s7], $0x2000  }
0x35: {  	s10 =	simm.s32 @!p0 $0x7A1400;
	s11 =	simm.s32 @!p0 $0x2000;
	[sflag:s7] =	ssyncset.done @!p0 $0x0  }
0x36: {  	s12 =	sadd.s32 @!p0 $0x2000, s13;
	s14 =	simm.s32 @!p0 $0x400;
	[sflag:s7] =	ssyncadd.s32 @!p0 $0xFFFFE000  }
0x37: {  	[tilespmem:s11], [sflag:$0x2] =	stream.strided.gather @!p0 [hbm4b:s12+s14], $0x2000, s10, s14, $0x38;
	[tilespmem:$0x10000] =	vst v63  }
0x38: {  	s28 =	simm.s32 @!p5 $0x400;
	s31 =	sadd.s32 @!p5 $0x7000, s13;
	_ =	swait.ge [sflag:s24], $0x2000  }
0x39: {  	p3 =	sgt.u32 s30, $0x1E84;
	p0 =	sgt.u32 s20, $0x1E84;
	[sflag:s24] =	ssyncset.done $0x0  }
0x3a: {  	s14 =	sadd.s32 $0xFFFF0000, s8;
	s12 =	simm.s32 @!p0 $0xB;
	[sflag:s24] =	ssyncadd.s32 $0xFFFFE000  }
0x3b: {  	[hbm4b:s14+s2] =	stream.linear.scatter [tilespmem:s17], [sflag:$0xB], $0x2000, $0x38;
	[tilespmem:$0x10000] =	vst v63  }
0x3c: {  	p2 =	por p2, p2;
	s15 =	sadd.s32 $0x160, s4;
	_ =	swait.ge @!p0 [sflag:s12], $0x2000  }
0x3d: {  	s1 =	simm.s32 @!p0 $0x7A1400;
	s20 =	sadd.s32 @!p0 $0x3000, s13;
	[sflag:s12] =	ssyncset.done @!p0 $0x0  }
0x3e: {  	s14 =	simm.s32 @!p0 $0x4000;
	[sflag:s12] =	ssyncadd.s32 @!p0 $0xFFFFE000;
	s12 =	simm.s32 @!p0 $0x400  }
0x3f: {  	[tilespmem:s14], [sflag:$0x3] =	stream.strided.gather @!p0 [hbm4b:s20+s12], $0x2000, s1, s12, $0x38;
	[tilespmem:$0x10000] =	vst v63  }
0x40: {  	p1 =	sgt.u32 s15, $0x1E84;
	s0 =	sadd.s32 $0x180, s4;
	_ =	swait.ge [sflag:s25], $0x2000  }
0x41: {  	s6 =	sadd.s32 $0x80, s4;
	s9 =	sadd.s32 $0xA0, s4;
	[sflag:s25] =	ssyncset.done $0x0  }
0x42: {  	s19 =	sadd.s32 $0xFFFF8000, s8;
	s1 =	simm.s32 @!p1 $0xC;
	[sflag:s25] =	ssyncadd.s32 $0xFFFFE000  }
0x43: {  	[hbm4b:s19+s2] =	stream.linear.scatter [tilespmem:s18], [sflag:$0xC], $0x2000, $0x38;
	[tilespmem:$0x10000] =	vst v63  }
0x44: {  	s11 =	simm.s32 @!p1 $0x6000;
	p0 =	sgt.u32 s6, $0x1E84;
	_ =	swait.ge @!p1 [sflag:s1], $0x2000  }
0x45: {  	s6 =	simm.s32 @!p1 $0x7A1400;
	s12 =	sadd.s32 @!p1 $0x4000, s13;
	[sflag:s1] =	ssyncset.done @!p1 $0x0  }
0x46: {  	s14 =	simm.s32 @!p1 $0x400;
	[sflag:s1] =	ssyncadd.s32 @!p1 $0xFFFFE000;
	s1 =	simm.s32 @!p0 $0x5  }
0x47: {  	[tilespmem:s11], [sflag:$0x4] =	stream.strided.gather @!p1 [hbm4b:s12+s14], $0x2000, s6, s14, $0x38;
	[tilespmem:$0x10000] =	vst v63  }
0x48: {  	s21 =	sadd.s32 $0x8000, s13;
	s7 =	simm.s32 $0x200;
	_ =	swait.ge @!p0 [sflag:s1], $0x2000  }
0x49: {  	s11 =	simm.s32 @!p0 $0x8000;
	p1 =	sgt.u32 s0, $0x1E84;
	[sflag:s1] =	ssyncset.done @!p0 $0x0  }
0x4a: {  	s0 =	simm.s32 @!p0 $0x0;
	[sflag:s1] =	ssyncadd.s32 @!p0 $0xFFFFE000;
	s1 =	simm.s32 @!p1 $0xD  }
0x4b: {  	[hbm4b:s8+s0] =	stream.linear.scatter @!p0 [tilespmem:s11], [sflag:$0xD], $0x2000, $0x38;
	[tilespmem:$0x10000] =	vst v63  }
0x4c: {  	s10 =	simm.s32 @!p1 $0x7A1400;
	s0 =	simm.s32 @!p1 $0x8000;
	_ =	swait.ge @!p1 [sflag:s1], $0x2000  }
0x4d: {  	p0 =	sgt.u32 s9, $0x1E84;
	s9 =	sadd.s32 @!p1 $0x5000, s13;
	[sflag:s1] =	ssyncset.done @!p1 $0x0  }
0x4e: {  	s11 =	simm.s32 @!p1 $0x400;
	s12 =	simm.s32 @!p0 $0x6;
	[sflag:s1] =	ssyncadd.s32 @!p1 $0xFFFFE000  }
0x4f: {  	[tilespmem:s0], [sflag:$0x5] =	stream.strided.gather @!p1 [hbm4b:s9+s11], $0x2000, s10, s11, $0x38;
	[tilespmem:$0x10000] =	vst v63  }
0x50: {  	s20 =	sadd.s32 $0x40000, s8;
	s6 =	simm.s32 @!p3 $0x7A1400;
	_ =	swait.ge @!p0 [sflag:s12], $0x2000  }
0x51: {  	s4 =	simm.s32 @!p0 $0xA000;
	s1 =	simm.s32 @!p0 $0x0;
	[sflag:s12] =	ssyncset.done @!p0 $0x0  }
0x52: {  	s9 =	sadd.s32 @!p0 $0x8000, s8;
	s10 =	simm.s32 @!p3 $0xE;
	[sflag:s12] =	ssyncadd.s32 @!p0 $0xFFFFE000  }
0x53: {  	[hbm4b:s9+s1] =	stream.linear.scatter @!p0 [tilespmem:s4], [sflag:$0xE], $0x2000, $0x38;
	[tilespmem:$0x10000] =	vst v63  }
0x54: {  	s14 =	simm.s32 @!p5 $0xF;
	s0 =	sadd.s32 @!p3 $0x6000, s13;
	_ =	swait.ge @!p3 [sflag:s10], $0x2000  }
0x55: {  	s12 =	smov.u32 s8;
	s1 =	simm.s32 @!p3 $0xA000;
	[sflag:s10] =	ssyncset.done @!p3 $0x0  }
0x56: {  	p0 =	sgt.u32 s26, $0x1E84;
	s4 =	simm.s32 @!p3 $0x400;
	[sflag:s10] =	ssyncadd.s32 @!p3 $0xFFFFE000  }
0x57: {  	[tilespmem:s1], [sflag:$0x6] =	stream.strided.gather @!p3 [hbm4b:s0+s4], $0x2000, s6, s4, $0x38;
	[tilespmem:$0x10000] =	vst v63  }
0x58: {  	s9 =	simm.s32 @!p0 $0x7;
	s6 =	sadd.s32 $0x100, s3;
	s0 =	simm.s32 @!p5 $0x7A1400  }
0x59: {  	s1 =	simm.s32 @!p0 $0x0;
	s4 =	simm.s32 @!p0 $0xC000;
	_ =	swait.ge @!p0 [sflag:s9], $0x2000  }
0x5a: {  	s30 =	sadd.s32 $0xE0, s6;
	s29 =	sadd.s32 $0x120, s6;
	[sflag:s9] =	ssyncset.done @!p0 $0x0  }
0x5b: {  	p3 =	sgt.u32 s30, $0x1E84;
	[sflag:s9] =	ssyncadd.s32 @!p0 $0xFFFFE000;
	s9 =	sadd.s32 @!p0 $0x10000, s8  }
0x5c: {  	[hbm4b:s9+s1] =	stream.linear.scatter @!p0 [tilespmem:s4], [sflag:$0xF], $0x2000, $0x38;
	[tilespmem:$0x10000] =	vst v63  }
0x5d: {  	s11 =	sadd.s32 $0x140, s6;
	s1 =	simm.s32 @!p5 $0xC000;
	p0 =	por @!p3 $0x0, $0x0  }
.LBB2_2:
0x5e: {  	p6 =	por p0, p3;
	s30 =	sadd.s32 $0x80, s6  }
0x5f: {  	_ =	swait.ge @!p5 [sflag:s14], $0x2000;
	s9 =	smov.u32 s7;
	s10 =	smov.u32 s21  }
0x60: {  	s26 =	sadd.s32 $0x180, s6;
	s4 =	sadd.s32 $0xA0, s6;
	[sflag:s14] =	ssyncset.done @!p5 $0x0  }
0x61: {  	s15 =	simm.s32 @!p2 $0x0;
	[sflag:s14] =	ssyncadd.s32 @!p5 $0xFFFFE000;
	s14 =	simm.s32 @!p2 $0x8  }
0x62: {  	[tilespmem:s1], [sflag:$0x7] =	stream.strided.gather @!p5 [hbm4b:s31+s28], $0x2000, s0, s28, $0x38;
	[tilespmem:$0x10000] =	vst v63  }
0x63: {  	s0 =	simm.s32 @!p3 $0xE000;
	s28 =	sadd.s32 $0x1C0, s6;
	_ =	swait.ge @!p2 [sflag:s14], $0x2000  }
0x64: {  	s12 =	sadd.s32 @!p2 $0x18000, s12;
	s1 =	simm.s32 @!p6 $0x10;
	[sflag:s14] =	ssyncset.done @!p2 $0x0  }
0x65: {  	s7 =	sadd.s32 $0x100, s7;
	s31 =	sadd.s32 $0x1A0, s6;
	[sflag:s14] =	ssyncadd.s32 @!p2 $0xFFFFE000  }
0x66: {  	[hbm4b:s12+s15] =	stream.linear.scatter @!p2 [tilespmem:s5], [sflag:$0x10], $0x2000, $0x38;
	[tilespmem:$0x10000] =	vst v63  }
0x67: {  	s14 =	simm.s32 @!p3 $0x400;
	s15 =	simm.s32 @!p3 $0x7A1400;
	_ =	swait.ge @!p6 [sflag:s1], $0x2000  }
0x68: {  	p4 =	sne.s32 s7, $0x1F00;
	s5 =	smov.u32 s0;
	[sflag:s1] =	ssyncset.done @!p6 $0x0  }
0x69: {  	s0 =	sadd.s32 $0x100, s6;
	s12 =	smov.u32 s20;
	[sflag:s1] =	ssyncadd.s32 @!p6 $0xFFFFE000  }
0x6a: {  	[tilespmem:s5], [sflag:$0x8] =	stream.strided.gather @!p3 [hbm4b:s21+s14], $0x2000, s15, s14, $0x38;
	[tilespmem:$0x10000] =	vst v63  }
0x6b: {  	p2 =	por p3, p3;
	p0 =	sgt.u32 s0, $0x1E84;
	_ =	swait.ge [sflag:s22], $0x2000  }
0x6c: {  	s0 =	simm.s32 @!p0 $0x9;
	[sflag:s22] =	ssyncset.done $0x0  }
0x6d: {  	s1 =	sadd.s32 $0xFFFE0000, s20;
	[sflag:s22] =	ssyncadd.s32 $0xFFFFE000  }
0x6e: {  	[hbm4b:s1+s2] =	stream.linear.scatter [tilespmem:s2], [sflag:$0x9], $0x2000, $0x38;
	[tilespmem:$0x10000] =	vst v63  }
0x6f: {  	s14 =	simm.s32 @!p0 $0x0;
	s1 =	simm.s32 @!p0 $0x7A1400;
	_ =	swait.ge @!p0 [sflag:s0], $0x2000  }
0x70: {  	s19 =	simm.s32 @!p0 $0x400;
	s15 =	sadd.s32 @!p0 $0x1000, s21;
	[sflag:s0] =	ssyncset.done @!p0 $0x0  }
0x71: {  	[sflag:s0] =	ssyncadd.s32 @!p0 $0xFFFFE000  }
0x72: {  	[tilespmem:s14], [sflag:$0x1] =	stream.strided.gather @!p0 [hbm4b:s15+s19], $0x2000, s1, s19, $0x38;
	[tilespmem:$0x10000] =	vst v63  }
0x73: {  	_ =	swait.ge [sflag:s23], $0x2000  }
0x74: {  	p0 =	sgt.u32 s29, $0x1E84;
	[sflag:s23] =	ssyncset.done $0x0  }
0x75: {  	s0 =	sadd.s32 $0xFFFE8000, s20;
	s1 =	simm.s32 @!p0 $0xA;
	[sflag:s23] =	ssyncadd.s32 $0xFFFFE000  }
0x76: {  	[hbm4b:s0+s2] =	stream.linear.scatter [tilespmem:s16], [sflag:$0xA], $0x2000, $0x38;
	[tilespmem:$0x10000] =	vst v63  }
0x77: {  	s14 =	simm.s32 @!p0 $0x2000;
	s0 =	simm.s32 @!p0 $0x7A1400;
	_ =	swait.ge @!p0 [sflag:s1], $0x2000  }
0x78: {  	s15 =	sadd.s32 @!p0 $0x2000, s21;
	s19 =	simm.s32 @!p0 $0x400;
	[sflag:s1] =	ssyncset.done @!p0 $0x0  }
0x79: {  	[sflag:s1] =	ssyncadd.s32 @!p0 $0xFFFFE000  }
0x7a: {  	[tilespmem:s14], [sflag:$0x2] =	stream.strided.gather @!p0 [hbm4b:s15+s19], $0x2000, s0, s19, $0x38;
	[tilespmem:$0x10000] =	vst v63  }
0x7b: {  	s21 =	sadd.s32 $0x8000, s21;
	_ =	swait.ge [sflag:s24], $0x2000  }
0x7c: {  	s0 =	sadd.s32 $0xFFFF0000, s20;
	p0 =	sgt.u32 s11, $0x1E84;
	[sflag:s24] =	ssyncset.done $0x0  }
0x7d: {  	s20 =	sadd.s32 $0x40000, s20;
	s1 =	simm.s32 @!p0 $0xB;
	[sflag:s24] =	ssyncadd.s32 $0xFFFFE000  }
0x7e: {  	[hbm4b:s0+s2] =	stream.linear.scatter [tilespmem:s17], [sflag:$0xB], $0x2000, $0x38;
	[tilespmem:$0x10000] =	vst v63  }
0x7f: {  	s11 =	simm.s32 @!p0 $0x4000;
	s0 =	simm.s32 @!p0 $0x7A1400;
	_ =	swait.ge @!p0 [sflag:s1], $0x2000  }
0x80: {  	s14 =	sadd.s32 @!p0 $0x3000, s10;
	s15 =	simm.s32 @!p0 $0x400;
	[sflag:s1] =	ssyncset.done @!p0 $0x0  }
0x81: {  	p3 =	sgt.u32 s31, $0x1E84;
	[sflag:s1] =	ssyncadd.s32 @!p0 $0xFFFFE000;
	s1 =	sadd.s32 $0xFFFF8000, s12  }
0x82: {  	[tilespmem:s11], [sflag:$0x3] =	stream.strided.gather @!p0 [hbm4b:s14+s15], $0x2000, s0, s15, $0x38;
	[tilespmem:$0x10000] =	vst v63  }
0x83: {  	s0 =	sadd.s32 $0x160, s6;
	s11 =	simm.s32 @!p3 $0x7A1400;
	_ =	swait.ge [sflag:s25], $0x2000  }
0x84: {  	p0 =	sgt.u32 s0, $0x1E84;
	s0 =	sadd.s32 $0xC0, s6;
	[sflag:s25] =	ssyncset.done $0x0  }
0x85: {  	p6 =	sgt.u32 s30, $0x1E84;
	s6 =	simm.s32 @!p0 $0xC;
	[sflag:s25] =	ssyncadd.s32 $0xFFFFE000  }
0x86: {  	[hbm4b:s1+s2] =	stream.linear.scatter [tilespmem:s18], [sflag:$0xC], $0x2000, $0x38;
	[tilespmem:$0x10000] =	vst v63  }
0x87: {  	s14 =	simm.s32 @!p0 $0x6000;
	s1 =	simm.s32 @!p0 $0x7A1400;
	_ =	swait.ge @!p0 [sflag:s6], $0x2000  }
0x88: {  	s15 =	sadd.s32 @!p0 $0x4000, s10;
	s19 =	simm.s32 @!p0 $0x400;
	[sflag:s6] =	ssyncset.done @!p0 $0x0  }
0x89: {  	s29 =	simm.s32 @!p6 $0x8000;
	[sflag:s6] =	ssyncadd.s32 @!p0 $0xFFFFE000;
	s6 =	simm.s32 @!p6 $0x5  }
0x8a: {  	[tilespmem:s14], [sflag:$0x4] =	stream.strided.gather @!p0 [hbm4b:s15+s19], $0x2000, s1, s19, $0x38;
	[tilespmem:$0x10000] =	vst v63  }
0x8b: {  	p1 =	sgt.u32 s26, $0x1E84;
	p5 =	sgt.u32 s28, $0x1E84;
	_ =	swait.ge @!p6 [sflag:s6], $0x2000  }
0x8c: {  	s1 =	simm.s32 @!p6 $0x0;
	s14 =	simm.s32 @!p1 $0x8000;
	[sflag:s6] =	ssyncset.done @!p6 $0x0  }
0x8d: {  	s28 =	simm.s32 @!p5 $0x400;
	s15 =	simm.s32 @!p1 $0xD;
	[sflag:s6] =	ssyncadd.s32 @!p6 $0xFFFFE000  }
0x8e: {  	s31 =	sadd.s32 @!p5 $0x7000, s10;
	s19 =	simm.s32 @!p1 $0x7A1400;
	p0 =	sgt.u32 s4, $0x1E84  }
0x8f: {  	[hbm4b:s12+s1] =	stream.linear.scatter @!p6 [tilespmem:s29], [sflag:$0xD], $0x2000, $0x38;
	[tilespmem:$0x10000] =	vst v63  }
0x90: {  	s4 =	simm.s32 @!p1 $0x400;
	s1 =	sadd.s32 @!p1 $0x5000, s10;
	_ =	swait.ge @!p1 [sflag:s15], $0x2000  }
0x91: {  	s26 =	simm.s32 @!p0 $0x6;
	s29 =	simm.s32 @!p0 $0x0;
	[sflag:s15] =	ssyncset.done @!p1 $0x0  }
0x92: {  	s6 =	sadd.s32 s9, s3;
	[sflag:s15] =	ssyncadd.s32 @!p1 $0xFFFFE000;
	s15 =	simm.s32 @!p0 $0xA000  }
0x93: {  	[tilespmem:s14], [sflag:$0x5] =	stream.strided.gather @!p1 [hbm4b:s1+s4], $0x2000, s19, s4, $0x38;
	[tilespmem:$0x10000] =	vst v63  }
0x94: {  	s4 =	sadd.s32 @!p0 $0x8000, s12;
	s19 =	simm.s32 @!p3 $0xA000;
	_ =	swait.ge @!p0 [sflag:s26], $0x2000  }
0x95: {  	p6 =	sgt.u32 s0, $0x1E84;
	s14 =	simm.s32 @!p3 $0xE;
	[sflag:s26] =	ssyncset.done @!p0 $0x0  }
0x96: {  	s0 =	simm.s32 @!p5 $0x7A1400;
	s1 =	simm.s32 @!p5 $0xC000;
	[sflag:s26] =	ssyncadd.s32 @!p0 $0xFFFFE000  }
0x97: {  	[hbm4b:s4+s29] =	stream.linear.scatter @!p0 [tilespmem:s15], [sflag:$0xE], $0x2000, $0x38;
	[tilespmem:$0x10000] =	vst v63  }
0x98: {  	s4 =	sadd.s32 @!p3 $0x6000, s10;
	s10 =	simm.s32 @!p3 $0x400;
	_ =	swait.ge @!p3 [sflag:s14], $0x2000  }
0x99: {  	s26 =	simm.s32 @!p6 $0x0;
	s15 =	simm.s32 @!p6 $0x7;
	[sflag:s14] =	ssyncset.done @!p3 $0x0  }
0x9a: {  	s30 =	simm.s32 @!p6 $0xC000;
	[sflag:s14] =	ssyncadd.s32 @!p3 $0xFFFFE000;
	s14 =	simm.s32 @!p5 $0xF  }
0x9b: {  	[tilespmem:s19], [sflag:$0x6] =	stream.strided.gather @!p3 [hbm4b:s4+s10], $0x2000, s11, s10, $0x38;
	[tilespmem:$0x10000] =	vst v63  }
.Ltmp0:
0x9c: {  	_ = 	snop;
	(pc) =	sbr.rel @p4 .LBB2_2-.Ltmp0, $4  }
0x9d: {  	s29 =	sadd.s32 $0x120, s6;
	s4 =	sadd.s32 $0xE0, s6;
	_ =	swait.ge @!p6 [sflag:s15], $0x2000  }
0x9e: {  	s11 =	sadd.s32 $0x140, s6;
	p3 =	sgt.u32 s4, $0x1E84;
	[sflag:s15] =	ssyncset.done @!p6 $0x0  }
0x9f: {  	s4 =	sadd.s32 @!p6 $0x10000, s12;
	p0 =	seq.s32 @!p3 s9, $0x0;
	[sflag:s15] =	ssyncadd.s32 @!p6 $0xFFFFE000  }
0xa0: {  	[hbm4b:s4+s26] =	stream.linear.scatter @!p6 [tilespmem:s30], [sflag:$0xF], $0x2000, $0x38;
	[tilespmem:$0x10000] =	vst v63  }
0xa1: {  	_ =	swait.ge @!p5 [sflag:s14], $0x2000  }
0xa2: {  	[sflag:s14] =	ssyncset.done @!p5 $0x0  }
0xa3: {  	[sflag:s14] =	ssyncadd.s32 @!p5 $0xFFFFE000  }
0xa4: {  	[tilespmem:s1], [sflag:$0x7] =	stream.strided.gather @!p5 [hbm4b:s31+s28], $0x2000, s0, s28, $0x38;
	[tilespmem:$0x10000] =	vst v63  }
0xa5: {  	s0 =	simm.s32 @!p2 $0x8  }
0xa6: {  	_ =	swait.ge @!p2 [sflag:s0], $0x2000  }
0xa7: {  	s4 =	sadd.s32 @!p2 $0x18000, s12;
	p0 =	por p0, p3;
	[sflag:s0] =	ssyncset.done @!p2 $0x0  }
0xa8: {  	s1 =	simm.s32 @!p2 $0x0;
	[sflag:s0] =	ssyncadd.s32 @!p2 $0xFFFFE000;
	s0 =	simm.s32 @!p0 $0x10  }
0xa9: {  	[hbm4b:s4+s1] =	stream.linear.scatter @!p2 [tilespmem:s5], [sflag:$0x10], $0x2000, $0x38;
	[tilespmem:$0x10000] =	vst v63  }
0xaa: {  	_ =	swait.ge @!p0 [sflag:s0], $0x2000  }
0xab: {  	s4 =	simm.s32 @!p3 $0xE000;
	[sflag:s0] =	ssyncset.done @!p0 $0x0  }
0xac: {  	s1 =	simm.s32 @!p3 $0x400;
	s5 =	simm.s32 @!p3 $0x7A1400;
	[sflag:s0] =	ssyncadd.s32 @!p0 $0xFFFFE000  }
0xad: {  	[tilespmem:s4], [sflag:$0x8] =	stream.strided.gather @!p3 [hbm4b:s21+s1], $0x2000, s5, s1, $0x38;
	[tilespmem:$0x10000] =	vst v63  }
0xae: {  	s14 =	sadd.s32 $0x100, s6;
	_ =	swait.ge [sflag:s22], $0x2000  }
0xaf: {  	p0 =	sgt.u32 s14, $0x1E84;
	[sflag:s22] =	ssyncset.done $0x0  }
0xb0: {  	s15 =	sadd.s32 $0xFFFE0000, s20;
	s0 =	simm.s32 @!p0 $0x9;
	[sflag:s22] =	ssyncadd.s32 $0xFFFFE000  }
0xb1: {  	[hbm4b:s15+s2] =	stream.linear.scatter [tilespmem:s2], [sflag:$0x9], $0x2000, $0x38;
	[tilespmem:$0x10000] =	vst v63  }
0xb2: {  	_ =	swait.ge @!p0 [sflag:s0], $0x2000  }
0xb3: {  	s1 =	simm.s32 @!p0 $0x7A1400;
	s5 =	simm.s32 @!p0 $0x0;
	[sflag:s0] =	ssyncset.done @!p0 $0x0  }
0xb4: {  	s7 =	sadd.s32 @!p0 $0x1000, s21;
	[sflag:s0] =	ssyncadd.s32 @!p0 $0xFFFFE000;
	s0 =	simm.s32 @!p0 $0x400  }
0xb5: {  	[tilespmem:s5], [sflag:$0x1] =	stream.strided.gather @!p0 [hbm4b:s7+s0], $0x2000, s1, s0, $0x38;
	[tilespmem:$0x10000] =	vst v63  }
0xb6: {  	_ =	swait.ge [sflag:s23], $0x2000  }
0xb7: {  	p0 =	sgt.u32 s29, $0x1E84;
	[sflag:s23] =	ssyncset.done $0x0  }
0xb8: {  	s19 =	sadd.s32 $0xFFFE8000, s20;
	s1 =	simm.s32 @!p0 $0xA;
	[sflag:s23] =	ssyncadd.s32 $0xFFFFE000  }
0xb9: {  	[hbm4b:s19+s2] =	stream.linear.scatter [tilespmem:s16], [sflag:$0xA], $0x2000, $0x38;
	[tilespmem:$0x10000] =	vst v63  }
0xba: {  	_ =	swait.ge @!p0 [sflag:s1], $0x2000  }
0xbb: {  	s0 =	simm.s32 @!p0 $0x7A1400;
	s5 =	simm.s32 @!p0 $0x2000;
	[sflag:s1] =	ssyncset.done @!p0 $0x0  }
0xbc: {  	s7 =	sadd.s32 @!p0 $0x2000, s21;
	[sflag:s1] =	ssyncadd.s32 @!p0 $0xFFFFE000;
	s1 =	simm.s32 @!p0 $0x400  }
0xbd: {  	[tilespmem:s5], [sflag:$0x2] =	stream.strided.gather @!p0 [hbm4b:s7+s1], $0x2000, s0, s1, $0x38;
	[tilespmem:$0x10000] =	vst v63  }
0xbe: {  	_ =	swait.ge [sflag:s24], $0x2000  }
0xbf: {  	p0 =	sgt.u32 s11, $0x1E84;
	[sflag:s24] =	ssyncset.done $0x0  }
0xc0: {  	s26 =	sadd.s32 $0xFFFF0000, s20;
	s1 =	simm.s32 @!p0 $0xB;
	[sflag:s24] =	ssyncadd.s32 $0xFFFFE000  }
0xc1: {  	[hbm4b:s26+s2] =	stream.linear.scatter [tilespmem:s17], [sflag:$0xB], $0x2000, $0x38;
	[tilespmem:$0x10000] =	vst v63  }
0xc2: {  	_ =	swait.ge @!p0 [sflag:s1], $0x2000  }
0xc3: {  	s0 =	simm.s32 @!p0 $0x7A1400;
	s5 =	simm.s32 @!p0 $0x4000;
	[sflag:s1] =	ssyncset.done @!p0 $0x0  }
0xc4: {  	s7 =	sadd.s32 @!p0 $0x3000, s21;
	[sflag:s1] =	ssyncadd.s32 @!p0 $0xFFFFE000;
	s1 =	simm.s32 @!p0 $0x400  }
0xc5: {  	[tilespmem:s5], [sflag:$0x3] =	stream.strided.gather @!p0 [hbm4b:s7+s1], $0x2000, s0, s1, $0x38;
	[tilespmem:$0x10000] =	vst v63  }
0xc6: {  	s28 =	sadd.s32 $0x160, s6;
	_ =	swait.ge [sflag:s25], $0x2000  }
0xc7: {  	p0 =	sgt.u32 s28, $0x1E84;
	[sflag:s25] =	ssyncset.done $0x0  }
0xc8: {  	s29 =	sadd.s32 $0xFFFF8000, s20;
	s1 =	simm.s32 @!p0 $0xC;
	[sflag:s25] =	ssyncadd.s32 $0xFFFFE000  }
0xc9: {  	[hbm4b:s29+s2] =	stream.linear.scatter [tilespmem:s18], [sflag:$0xC], $0x2000, $0x38;
	[tilespmem:$0x10000] =	vst v63  }
0xca: {  	s30 =	sadd.s32 $0x80, s6;
	_ =	swait.ge @!p0 [sflag:s1], $0x2000  }
0xcb: {  	s0 =	simm.s32 @!p0 $0x7A1400;
	s5 =	simm.s32 @!p0 $0x6000;
	[sflag:s1] =	ssyncset.done @!p0 $0x0  }
0xcc: {  	s7 =	sadd.s32 @!p0 $0x4000, s21;
	[sflag:s1] =	ssyncadd.s32 @!p0 $0xFFFFE000;
	s1 =	simm.s32 @!p0 $0x400  }
0xcd: {  	[tilespmem:s5], [sflag:$0x4] =	stream.strided.gather @!p0 [hbm4b:s7+s1], $0x2000, s0, s1, $0x38;
	[tilespmem:$0x10000] =	vst v63  }
0xce: {  	p0 =	sgt.u32 s30, $0x1E84  }
0xcf: {  	s0 =	simm.s32 @!p0 $0x5  }
0xd0: {  	_ =	swait.ge @!p0 [sflag:s0], $0x2000  }
0xd1: {  	s31 =	sadd.s32 $0x180, s6;
	[sflag:s0] =	ssyncset.done @!p0 $0x0  }
0xd2: {  	s5 =	simm.s32 @!p0 $0x8000;
	s7 =	simm.s32 @!p0 $0x0;
	[sflag:s0] =	ssyncadd.s32 @!p0 $0xFFFFE000  }
0xd3: {  	[hbm4b:s20+s7] =	stream.linear.scatter @!p0 [tilespmem:s5], [sflag:$0xD], $0x2000, $0x38;
	[tilespmem:$0x10000] =	vst v63  }
0xd4: {  	p0 =	sgt.u32 s31, $0x1E84  }
0xd5: {  	s0 =	simm.s32 @!p0 $0xD  }
0xd6: {  	_ =	swait.ge @!p0 [sflag:s0], $0x2000  }
0xd7: {  	s1 =	simm.s32 @!p0 $0x8000;
	s5 =	simm.s32 @!p0 $0x7A1400;
	[sflag:s0] =	ssyncset.done @!p0 $0x0  }
0xd8: {  	s7 =	sadd.s32 @!p0 $0x5000, s21;
	[sflag:s0] =	ssyncadd.s32 @!p0 $0xFFFFE000;
	s0 =	simm.s32 @!p0 $0x400  }
0xd9: {  	[tilespmem:s1], [sflag:$0x5] =	stream.strided.gather @!p0 [hbm4b:s7+s0], $0x2000, s5, s0, $0x38;
	[tilespmem:$0x10000] =	vst v63  }
0xda: {  	s7 =	sadd.s32 $0xA0, s6  }
0xdb: {  	p0 =	sgt.u32 s7, $0x1E84  }
0xdc: {  	s0 =	simm.s32 @!p0 $0x6  }
0xdd: {  	_ =	swait.ge @!p0 [sflag:s0], $0x2000  }
0xde: {  	s9 =	sadd.s32 $0x1A0, s6;
	s5 =	simm.s32 @!p0 $0x0;
	[sflag:s0] =	ssyncset.done @!p0 $0x0  }
0xdf: {  	s7 =	simm.s32 @!p0 $0xA000;
	[sflag:s0] =	ssyncadd.s32 @!p0 $0xFFFFE000;
	s0 =	sadd.s32 @!p0 $0x8000, s20  }
0xe0: {  	[hbm4b:s0+s5] =	stream.linear.scatter @!p0 [tilespmem:s7], [sflag:$0xE], $0x2000, $0x38;
	[tilespmem:$0x10000] =	vst v63  }
0xe1: {  	p0 =	sgt.u32 s9, $0x1E84  }
0xe2: {  	s0 =	simm.s32 @!p0 $0xE  }
0xe3: {  	s10 =	sadd.s32 $0xC0, s6;
	_ =	swait.ge @!p0 [sflag:s0], $0x2000  }
0xe4: {  	s1 =	simm.s32 @!p0 $0x7A1400;
	s5 =	simm.s32 @!p0 $0xA000;
	[sflag:s0] =	ssyncset.done @!p0 $0x0  }
0xe5: {  	s7 =	sadd.s32 @!p0 $0x6000, s21;
	[sflag:s0] =	ssyncadd.s32 @!p0 $0xFFFFE000;
	s0 =	simm.s32 @!p0 $0x400  }
0xe6: {  	[tilespmem:s5], [sflag:$0x6] =	stream.strided.gather @!p0 [hbm4b:s7+s0], $0x2000, s1, s0, $0x38;
	[tilespmem:$0x10000] =	vst v63  }
0xe7: {  	p0 =	sgt.u32 s10, $0x1E84  }
0xe8: {  	s0 =	simm.s32 @!p0 $0x7  }
0xe9: {  	_ =	swait.ge @!p0 [sflag:s0], $0x2000  }
0xea: {  	s11 =	sadd.s32 $0x1C0, s6;
	s1 =	simm.s32 @!p0 $0x0;
	[sflag:s0] =	ssyncset.done @!p0 $0x0  }
0xeb: {  	s5 =	simm.s32 @!p0 $0xC000;
	[sflag:s0] =	ssyncadd.s32 @!p0 $0xFFFFE000;
	s0 =	sadd.s32 @!p0 $0x10000, s20  }
0xec: {  	[hbm4b:s0+s1] =	stream.linear.scatter @!p0 [tilespmem:s5], [sflag:$0xF], $0x2000, $0x38;
	[tilespmem:$0x10000] =	vst v63  }
0xed: {  	p0 =	sgt.u32 s11, $0x1E84  }
0xee: {  	s0 =	simm.s32 @!p0 $0xF  }
0xef: {  	_ =	swait.ge @!p0 [sflag:s0], $0x2000  }
0xf0: {  	s1 =	simm.s32 @!p0 $0x400;
	s5 =	sadd.s32 @!p0 $0x7000, s21;
	[sflag:s0] =	ssyncset.done @!p0 $0x0  }
0xf1: {  	s6 =	simm.s32 @!p0 $0x7A1400;
	[sflag:s0] =	ssyncadd.s32 @!p0 $0xFFFFE000;
	s0 =	simm.s32 @!p0 $0xC000  }
0xf2: {  	[tilespmem:s0], [sflag:$0x7] =	stream.strided.gather @!p0 [hbm4b:s5+s1], $0x2000, s6, s1, $0x38;
	[tilespmem:$0x10000] =	vst v63  }
0xf3: {  	p0 =	por p3, p3  }
0xf4: {  	s0 =	simm.s32 @!p0 $0x8  }
0xf5: {  	_ =	swait.ge @!p0 [sflag:s0], $0x2000  }
0xf6: {  	[sflag:s0] =	ssyncset.done @!p0 $0x0;
	s12 =	sld [smem:$0x7FC]  }
0xf7: {  	s1 =	sadd.s32 @!p0 $0x18000, s20;
	[sflag:s0] =	ssyncadd.s32 @!p0 $0xFFFFE000;
	s0 =	simm.s32 @!p0 $0x0  }
0xf8: {  	[hbm4b:s1+s0] =	stream.linear.scatter @!p0 [tilespmem:s4], [sflag:$0x10], $0x2000, $0x38;
	[tilespmem:$0x10000] =	vst v63  }
0xf9: {  	p0 =	seq.s32 s12, $0x1  }
0xfa: {  	s0 =	simm.s32 @!p0 $0xD  }
0xfb: {  	_ =	swait.ge @!p0 [sflag:s0], $0x2000  }
0xfc: {  	[sflag:s0] =	ssyncset.done @!p0 $0x0  }
0xfd: {  	s14 =	simm.s32 $0xE;
	[sflag:s0] =	ssyncadd.s32 @!p0 $0xFFFFE000  }
0xfe: {  	_ =	swait.ge [sflag:s14], $0x2000  }
0xff: {  	[sflag:s14] =	ssyncset.done $0x0  }
0x100: {  	s15 =	simm.s32 $0xF;
	[sflag:s14] =	ssyncadd.s32 $0xFFFFE000  }
0x101: {  	_ =	swait.ge [sflag:s15], $0x2000  }
0x102: {  	[sflag:s15] =	ssyncset.done $0x0  }
0x103: {  	s19 =	simm.s32 $0x10;
	[sflag:s15] =	ssyncadd.s32 $0xFFFFE000  }
0x104: {  	_ =	swait.ge [sflag:s19], $0x2000  }
0x105: {  	[sflag:s19] =	ssyncset.done $0x0  }
0x106: {  	s20 =	simm.s32 $0x9;
	[sflag:s19] =	ssyncadd.s32 $0xFFFFE000  }
0x107: {  	_ =	swait.ge [sflag:s20], $0x2000  }
0x108: {  	[sflag:s20] =	ssyncset.done $0x0  }
0x109: {  	s21 =	simm.s32 $0xA;
	[sflag:s20] =	ssyncadd.s32 $0xFFFFE000  }
0x10a: {  	_ =	swait.ge [sflag:s21], $0x2000  }
0x10b: {  	[sflag:s21] =	ssyncset.done $0x0  }
0x10c: {  	s26 =	simm.s32 $0xB;
	[sflag:s21] =	ssyncadd.s32 $0xFFFFE000  }
0x10d: {  	_ =	swait.ge [sflag:s26], $0x2000  }
0x10e: {  	[sflag:s26] =	ssyncset.done $0x0  }
0x10f: {  	s28 =	simm.s32 $0xC;
	[sflag:s26] =	ssyncadd.s32 $0xFFFFE000  }
0x110: {  	_ =	swait.ge [sflag:s28], $0x2000  }
0x111: {  	s29 =	sld [smem:$0x7FD];
	_ =	sdelay $0x2  }
0x112: {  	[sflag:s28] =	ssyncset.done $0x0;
	p1 =	seq.s32 s29, $0x1  }
0x113: {  	[sflag:s28] =	ssyncadd.s32 $0xFFFFE000;
	s0 =	simm.s32 @!p1 $0xD  }
0x114: {  	_ =	swait.ge @!p1 [sflag:s0], $0x2000  }
0x115: {  	s30 =	rddreg [dreg:$0xb]  }
0x116: {  	s31 =	rddreg [dreg:$0xa];
	s4 =	sadd.s32 $0x1, s30  }
0x117: {  	p0 =	sne.s32 s4, s31  }
.Ltmp1:
0x118: {  	_ = 	snop;
	(pc) =	sbr.rel @p0 .LBB2_1-.Ltmp1, $3  }
0x119: {  	_ =	sdelay $0x1  }
0x11a: {  	[sflag:s0] =	ssyncset.done @!p1 $0x0  }
0x11b: {  	[sflag:s0] =	ssyncadd.s32 @!p1 $0xFFFFE000  }
0x11c: {  	_ =	sfence.sel $0x180000  }
0x11d: {  	[bflag:$0x0] =	sbarrier.arrive $0xFFFF  }
0x11e: {  	_ =	strace $0x90000047  }
0x11f: {  	s0 =	stileid.u32;
	[bflag:$0x2] =	sbarrier.arrive $0xFFFF  }
0x120: {  	p0 =	sne.s32 s0, $0x0;
	s0 =	rddreg [dreg:$0x2]  }
0x121: {  	s0 =	sadd.s32 @!p0 $0x100000, s0  }
0x122: {  	[sflag:s0] =	ssyncadd.tile.s32 @!p0 $0x1;
	_ =	shalt  }
.Lfunc_end2:
_tile_overlayer_lowered:
.L_overlay_start_2:
0x123: {  	(tag) =	ssettag $0x2  }
0x124: {  	s0 =	rddreg [dreg:$0x0];
	s2 =	stileid.u32  }
0x125: {  	s1 =	rddreg [dreg:$0x1];
	p0 =	sne.s32 s2, $0x0  }
0x126: {  	s3 =	rddreg [dreg:$0x2];
	[bflag:$0x3] =	sbarrier.arrive $0xFFFF;
	s2 =	simm.s32 @!p0 $0x1C11  }
0x127: {  	[timem:s3], [sflag:s2] =	dma.local @!p0 [hbm:s0], s1  }
0x128: {  	s0 =	simm.s32 @!p0 $0x11  }
0x129: {  	_ =	swait.ge @!p0 [sflag:s0], s1  }
0x12a: {  	s1 =	ssub.s32 @!p0 $0x0, s1;
	[sflag:s0] =	ssyncset.done @!p0 $0x0  }
0x12b: {  	[sflag:s0] =	ssyncadd.s32 @!p0 s1  }
0x12c: {  	[bflag:$0x3] =	sbarrier.arrive $0xFFFF  }
0x12d: {  	_ =	shalt  }

</sc_bundles>
